<compile_context>
chip_gen: v7x
topology: tpu7x:2x2x1
jax: 0.10.2.dev20260603
libtpu: 0.0.44.dev20260713+nightly
codegen_flags: <defaults>
</compile_context>

<pallas_src>
import functools

import jax
import jax.numpy as jnp
from jax import lax
from jax.experimental import pallas as pl
from jax.experimental.pallas import tpu as pltpu
from jax.experimental.pallas import tpu_sc as plsc

N = 10000
D = 128
G = 64
NC = 2
NS = 16
L = 16
NW = NC * NS
CH = 128
AR = 10240


def _sc_mesh():
    return plsc.VectorSubcoreMesh(
        core_axis_name="c", subcore_axis_name="s", num_cores=NC, num_subcores=NS
    )


@functools.lru_cache(maxsize=None)
def _build_deg_kernel(ew: int):

    def body(dst_hbm, zrow_hbm, deg_out, dst_v, deg_v):
        c = lax.axis_index("c")
        s = lax.axis_index("s")
        wid = c * NS + s
        pltpu.sync_copy(zrow_hbm, deg_v)
        pltpu.sync_copy(dst_hbm.at[wid], dst_v)
        ones = jnp.ones((L,), jnp.float32)

        def step(i, carry):
            idx = dst_v[pl.ds(i * L, L)]
            plsc.addupdate_scatter(deg_v, [idx], ones)
            return carry

        lax.fori_loop(0, ew // L, step, 0)
        pltpu.sync_copy(deg_v, deg_out.at[wid])

    return pl.kernel(
        body,
        out_type=jax.ShapeDtypeStruct((NW, AR), jnp.float32),
        mesh=_sc_mesh(),
        scratch_types=[
            pltpu.VMEM((ew,), jnp.int32),
            pltpu.VMEM((AR,), jnp.float32),
        ],
        compiler_params=pltpu.CompilerParams(needs_layout_passes=False),
    )


@functools.lru_cache(maxsize=None)
def _build_scatter_kernel(nch0: int, nch1: int):
    nch_max = max(nch0, nch1)

    def body(hp_hbm, src_hbm, dst_hbm, zeros_hbm, out_hbm, src_v, dst_v, rows_v,
             acc_sh):
        c = lax.axis_index("c")
        s = lax.axis_index("s")
        wid = c * NS + s
        zrows = AR // NS
        pltpu.sync_copy(zeros_hbm, acc_sh.at[pl.ds(s * zrows, zrows)])
        pltpu.sync_copy(src_hbm.at[wid], src_v)
        pltpu.sync_copy(dst_hbm.at[wid], dst_v)
        plsc.subcore_barrier()

        nc = jnp.where(c == 0, nch0, nch1)

        def step(j, carry):
            pltpu.sync_copy(hp_hbm.at[src_v.at[j]], rows_v)
            pltpu.sync_copy(rows_v, acc_sh.at[dst_v.at[j]], add=True)
            return carry

        lax.fori_loop(0, nc, step, 0)
        plsc.subcore_barrier()
        opr = AR // NS
        pltpu.sync_copy(
            acc_sh.at[pl.ds(s * opr, opr)], out_hbm.at[c, pl.ds(s * opr, opr)]
        )

    return pl.kernel(
        body,
        out_type=jax.ShapeDtypeStruct((NC, AR, D), jnp.float32),
        mesh=_sc_mesh(),
        scratch_types=[
            pltpu.VMEM((nch_max, CH), jnp.int32),
            pltpu.VMEM((nch_max, CH), jnp.int32),
            pltpu.VMEM((CH, D), jnp.float32),
            pltpu.VMEM_SHARED((AR, D), jnp.float32),
        ],
    )


def _tc_dense1(deg_ref, x_ref, w_ref, dis_ref, hp_ref):
    deg = jnp.sum(deg_ref[...], axis=1, keepdims=True)[:N] + 1.0
    dis = lax.rsqrt(deg)
    dis_ref[...] = dis
    hp_ref[...] = jnp.dot(x_ref[...], w_ref[...], preferred_element_type=jnp.float32) * dis


def _tc_dense2(acc_ref, hp_ref, dis_ref, b_ref, w_ref, out_ref):
    a = acc_ref[...]
    agg = a[0, :N] + a[1, :N] + hp_ref[...]
    h = jnp.maximum(dis_ref[...] * agg + b_ref[...], 0.0)
    out_ref[...] = (
        jnp.dot(h, w_ref[...], preferred_element_type=jnp.float32) * dis_ref[...]
    )


def _tc_dense3(acc_ref, hp_ref, dis_ref, b_ref, batch_ref, wd_ref, bd_ref,
               scores_ref, pooled_ref):
    a = acc_ref[...]
    agg = a[0, :N] + a[1, :N] + hp_ref[...]
    h = jnp.maximum(dis_ref[...] * agg + b_ref[...], 0.0)
    gids = lax.broadcasted_iota(jnp.int32, (N, G), 1)
    maskf = jnp.where(batch_ref[...] == gids, 1.0, 0.0)
    dn = (((0,), (0,)), ((), ()))
    sums = lax.dot_general(maskf, h, dn, preferred_element_type=jnp.float32)
    cnts = lax.dot_general(
        maskf, jnp.ones((N, 1), jnp.float32), dn, preferred_element_type=jnp.float32
    )
    pooled = sums / jnp.maximum(cnts, 1.0)
    pooled_ref[...] = pooled
    scores_ref[...] = (
        jnp.dot(pooled, wd_ref[...], preferred_element_type=jnp.float32) + bd_ref[...]
    )


def kernel(x, edge_index, batch, W1, b1, W2, b2, Wd, bd):
    e = edge_index.shape[1]
    F0 = 0.57
    nch0 = max(1, int(round(e * F0 / (NS * CH))))
    e0 = nch0 * CH * NS
    nch1 = -(-(e - e0) // (NS * CH))
    nch_max = max(nch0, nch1)
    cap = NS * (nch0 + nch1) * CH
    pad = cap - e
    src = jnp.concatenate([edge_index[0], jnp.zeros((pad,), jnp.int32)])
    dst = jnp.concatenate([edge_index[1], jnp.full((pad,), N, jnp.int32)])

    def _split(a, padval):
        a0 = a[:e0].reshape(NS, nch0, CH)
        a1 = a[e0:].reshape(NS, nch1, CH)
        a0 = jnp.concatenate(
            [a0, jnp.full((NS, nch_max - nch0, CH), padval, jnp.int32)], axis=1)
        a1 = jnp.concatenate(
            [a1, jnp.full((NS, nch_max - nch1, CH), padval, jnp.int32)], axis=1)
        return jnp.concatenate([a0, a1], axis=0)

    src3 = _split(src, 0)
    dst3 = _split(dst, N)

    ew = nch_max * CH
    dst2 = dst3.reshape(NW, ew)
    zrow = jnp.zeros((AR,), jnp.float32)
    zeros_m = jnp.zeros((AR // NS, D), jnp.float32)

    deg_parts = _build_deg_kernel(ew)(dst2, zrow)
    deg_t = jnp.transpose(deg_parts)

    dense1 = pl.pallas_call(
        _tc_dense1,
        out_shape=(
            jax.ShapeDtypeStruct((N, 1), jnp.float32),
            jax.ShapeDtypeStruct((N, D), jnp.float32),
        ),
    )
    dis, hp1 = dense1(deg_t, x, W1)

    scatter = _build_scatter_kernel(nch0, nch1)
    acc1 = scatter(hp1, src3, dst3, zeros_m)

    dense2 = pl.pallas_call(
        _tc_dense2,
        out_shape=jax.ShapeDtypeStruct((N, D), jnp.float32),
    )
    hp2 = dense2(acc1, hp1, dis, b1.reshape(1, D), W2)

    acc2 = scatter(hp2, src3, dst3, zeros_m)

    dense3 = pl.pallas_call(
        _tc_dense3,
        out_shape=(
            jax.ShapeDtypeStruct((G, D), jnp.float32),
            jax.ShapeDtypeStruct((G, D), jnp.float32),
        ),
    )
    scores, pooled = dense3(
        acc2, hp2, dis, b2.reshape(1, D),
        batch.reshape(N, 1), Wd, bd.reshape(1, D),
    )
    return (scores, pooled)

# --- scband reference (transcript-rebuilt; emitter-appended) ---
"""Pipeline reference for scband-pretrained-model-52999896432998 (READ-ONLY COPY).

The authoritative reference and input builder live on the scoring server;
editing this copy changes nothing except your own understanding.
"""

import jax, jax.numpy as jnp
import numpy as np

N = 10000
E = 320000
D = 128
G = 64


def setup_inputs(seed: int = 0) -> dict:
    key = jax.random.key(seed)
    ks = jax.random.split(key, 10)
    x = jax.random.normal(ks[0], (N, D), dtype=jnp.float32)
    edge_index = jax.random.randint(ks[1], (2, E), 0, N, dtype=jnp.int32)
    batch = jnp.sort(jax.random.randint(ks[2], (N,), 0, G, dtype=jnp.int32))
    s = 1.0 / np.sqrt(D)
    W1 = jax.random.uniform(ks[3], (D, D), minval=-s, maxval=s, dtype=jnp.float32)
    b1 = jnp.zeros((D,), dtype=jnp.float32)
    W2 = jax.random.uniform(ks[4], (D, D), minval=-s, maxval=s, dtype=jnp.float32)
    b2 = jnp.zeros((D,), dtype=jnp.float32)
    Wd = jax.random.uniform(ks[5], (D, D), minval=-s, maxval=s, dtype=jnp.float32)
    bd = jnp.zeros((D,), dtype=jnp.float32)
    return {"x": x, "edge_index": edge_index, "batch": batch,
            "W1": W1, "b1": b1, "W2": W2, "b2": b2, "Wd": Wd, "bd": bd}


def gcn_conv(x, edge_index, W, b):
    # PyG GCNConv: add self-loops, symmetric normalization, linear transform, scatter-add
    n = x.shape[0]
    loop = jnp.arange(n, dtype=edge_index.dtype)
    src = jnp.concatenate([edge_index[0], loop])
    dst = jnp.concatenate([edge_index[1], loop])
    deg = jnp.zeros((n,), dtype=x.dtype).at[dst].add(1.0)
    dis = jnp.where(deg > 0, jax.lax.rsqrt(jnp.maximum(deg, 1e-12)), 0.0)
    norm = dis[src] * dis[dst]
    h = x @ W
    msgs = h[src] * norm[:, None]
    out = jax.ops.segment_sum(msgs, dst, num_segments=n)
    return out + b


def global_mean_pool(x, batch, num_graphs):
    sums = jax.ops.segment_sum(x, batch, num_segments=num_graphs)
    cnts = jax.ops.segment_sum(jnp.ones((x.shape[0],), dtype=x.dtype), batch, num_segments=num_graphs)
    return sums / jnp.maximum(cnts, 1.0)[:, None]


def reference(x, edge_index, batch, W1, b1, W2, b2, Wd, bd):
    # layer 0
    h = gcn_conv(x, edge_index, W1, b1)
    h = jax.nn.relu(h)
    # dropout p=0.0, eval mode -> identity
    # layer 1
    h = gcn_conv(h, edge_index, W2, b2)
    h = jax.nn.relu(h)
    # with_head: pool then linear decoder
    pooled = global_mean_pool(h, batch, G)
    scores = pooled @ Wd + bd
    return (scores, pooled)

if __name__ == "__main__":
    import jax
    _d = setup_inputs()
    print(jax.jit(kernel)(*tuple(_d.values())))

</pallas_src>

<mosaic_0001>
#map = affine_map<(d0, d1) -> (0, 0)>
#map1 = affine_map<(d0, d1) -> (0)>
module attributes {stable_mosaic.version = 14 : i64} {
  func.func @body(%arg0: i32, %arg1: i32, %arg2: memref<32x11392xi32, #tpu.memory_space<hbm>>, %arg3: memref<10240xf32, #tpu.memory_space<hbm>>, %arg4: memref<32x10240xf32, #tpu.memory_space<hbm>>, %arg5: memref<11392xi32, #tpu.memory_space<vmem>>, %arg6: memref<10240xf32, #tpu.memory_space<vmem>>) attributes {dimension_semantics = [#tpu.dimension_semantics<core_parallel>, #tpu.dimension_semantics<subcore_parallel>], iteration_bounds = array<i64: 2, 16>, scalar_prefetch = 0 : i64, scratch_operands = 2 : i64, tpu.core_type = #tpu.core_type<sc_vector_subcore>, window_params = [{transform_indices = #map}, {transform_indices = #map1}, {transform_indices = #map}]} {
    %mul3A = arith.constant 16 : i32
    %mul3A_0 = arith.muli %arg0, %mul3A : i32
    %add3A = arith.addi %mul3A_0, %arg1 : i32
    "tpu.region"() ({
      %run_scoped3A = tpu.sem_alloc : memref<!tpu.dma_semaphore, #tpu.memory_space<semaphore_mem>>
      tpu.enqueue_dma source(%arg3 : memref<10240xf32, #tpu.memory_space<hbm>>) target(%arg6 : memref<10240xf32, #tpu.memory_space<vmem>>) target_semaphore(%run_scoped3A : memref<!tpu.dma_semaphore, #tpu.memory_space<semaphore_mem>>)
      tpu.wait_dma2 semaphore(%run_scoped3A : memref<!tpu.dma_semaphore, #tpu.memory_space<semaphore_mem>>) src(%arg3 : memref<10240xf32, #tpu.memory_space<hbm>>) dst(%arg6 : memref<10240xf32, #tpu.memory_space<vmem>>)
      tpu.yield
    }) : () -> ()
    "tpu.region"() ({
      %run_scoped3A = tpu.sem_alloc : memref<!tpu.dma_semaphore, #tpu.memory_space<semaphore_mem>>
      %dma_start3A = arith.constant 0 : i32
      %dma_start3A_7 = tpu.memref_slice %arg2[%add3A, %dma_start3A] : memref<32x11392xi32, #tpu.memory_space<hbm>> -> memref<1x11392xi32, #tpu.memory_space<hbm>>
      %dma_start3A_8 = tpu.memref_squeeze %dma_start3A_7 : memref<1x11392xi32, #tpu.memory_space<hbm>> -> memref<11392xi32, #tpu.memory_space<hbm>>
      %dma_start3A_9 = arith.constant 0 : i32
      %dma_start3A_10 = tpu.memref_slice %arg2[%add3A, %dma_start3A_9] : memref<32x11392xi32, #tpu.memory_space<hbm>> -> memref<1x11392xi32, #tpu.memory_space<hbm>>
      %dma_start3A_11 = tpu.memref_squeeze %dma_start3A_10 : memref<1x11392xi32, #tpu.memory_space<hbm>> -> memref<11392xi32, #tpu.memory_space<hbm>>
      tpu.enqueue_dma source(%dma_start3A_11 : memref<11392xi32, #tpu.memory_space<hbm>>) target(%arg5 : memref<11392xi32, #tpu.memory_space<vmem>>) target_semaphore(%run_scoped3A : memref<!tpu.dma_semaphore, #tpu.memory_space<semaphore_mem>>)
      %dma_wait3A = arith.constant 0 : i32
      %dma_wait3A_12 = tpu.memref_slice %arg2[%add3A, %dma_wait3A] : memref<32x11392xi32, #tpu.memory_space<hbm>> -> memref<1x11392xi32, #tpu.memory_space<hbm>>
      %dma_wait3A_13 = tpu.memref_squeeze %dma_wait3A_12 : memref<1x11392xi32, #tpu.memory_space<hbm>> -> memref<11392xi32, #tpu.memory_space<hbm>>
      %dma_wait3A_14 = arith.constant 0 : i32
      %dma_wait3A_15 = tpu.memref_slice %arg2[%add3A, %dma_wait3A_14] : memref<32x11392xi32, #tpu.memory_space<hbm>> -> memref<1x11392xi32, #tpu.memory_space<hbm>>
      %dma_wait3A_16 = tpu.memref_squeeze %dma_wait3A_15 : memref<1x11392xi32, #tpu.memory_space<hbm>> -> memref<11392xi32, #tpu.memory_space<hbm>>
      tpu.wait_dma2 semaphore(%run_scoped3A : memref<!tpu.dma_semaphore, #tpu.memory_space<semaphore_mem>>) src(%dma_wait3A_16 : memref<11392xi32, #tpu.memory_space<hbm>>) dst(%arg5 : memref<11392xi32, #tpu.memory_space<vmem>>)
      tpu.yield
    }) : () -> ()
    %broadcast_in_dim3A = arith.constant 1.000000e+00 : f32
    %broadcast_in_dim3A_1 = vector.broadcast %broadcast_in_dim3A : f32 to vector<16xf32>
    %scan3A = arith.constant 0 : i32
    %scan3A_2 = arith.constant 0 : i32
    %scan3A_3 = arith.constant 712 : i32
    %scan3A_4 = arith.addi %scan3A_2, %scan3A_3 : i32
    %scan3A_5 = arith.constant 1 : i32
    scf.for %scan3A_7 = %scan3A_2 to %scan3A_4 step %scan3A_5  : i32 {
      %mul3A_8 = arith.constant 16 : i32
      %mul3A_9 = arith.muli %scan3A_7, %mul3A_8 : i32
      %get3A = arith.index_cast %mul3A_9 : i32 to index
      %get3A_10 = tpu.vector_load %arg5[%get3A] {strides = array<i32>} : memref<11392xi32, #tpu.memory_space<vmem>>, vector<16xi32>,
      tpu.vector_store_idx %arg6[%get3A_10], %broadcast_in_dim3A_1 {add = true} : memref<10240xf32, #tpu.memory_space<vmem>>[vector<16xi32>], vector<16xf32>,
    }
    %scan3A_6 = arith.constant 712 : i32
    "tpu.region"() ({
      %run_scoped3A = tpu.sem_alloc : memref<!tpu.dma_semaphore, #tpu.memory_space<semaphore_mem>>
      %dma_start3A = arith.constant 0 : i32
      %dma_start3A_7 = tpu.memref_slice %arg4[%add3A, %dma_start3A] : memref<32x10240xf32, #tpu.memory_space<hbm>> -> memref<1x10240xf32, #tpu.memory_space<hbm>>
      %dma_start3A_8 = tpu.memref_squeeze %dma_start3A_7 : memref<1x10240xf32, #tpu.memory_space<hbm>> -> memref<10240xf32, #tpu.memory_space<hbm>>
      %dma_start3A_9 = arith.constant 0 : i32
      %dma_start3A_10 = tpu.memref_slice %arg4[%add3A, %dma_start3A_9] : memref<32x10240xf32, #tpu.memory_space<hbm>> -> memref<1x10240xf32, #tpu.memory_space<hbm>>
      %dma_start3A_11 = tpu.memref_squeeze %dma_start3A_10 : memref<1x10240xf32, #tpu.memory_space<hbm>> -> memref<10240xf32, #tpu.memory_space<hbm>>
      tpu.enqueue_dma source(%arg6 : memref<10240xf32, #tpu.memory_space<vmem>>) target(%dma_start3A_11 : memref<10240xf32, #tpu.memory_space<hbm>>) target_semaphore(%run_scoped3A : memref<!tpu.dma_semaphore, #tpu.memory_space<semaphore_mem>>)
      %dma_wait3A = arith.constant 0 : i32
      %dma_wait3A_12 = tpu.memref_slice %arg4[%add3A, %dma_wait3A] : memref<32x10240xf32, #tpu.memory_space<hbm>> -> memref<1x10240xf32, #tpu.memory_space<hbm>>
      %dma_wait3A_13 = tpu.memref_squeeze %dma_wait3A_12 : memref<1x10240xf32, #tpu.memory_space<hbm>> -> memref<10240xf32, #tpu.memory_space<hbm>>
      %dma_wait3A_14 = arith.constant 0 : i32
      %dma_wait3A_15 = tpu.memref_slice %arg4[%add3A, %dma_wait3A_14] : memref<32x10240xf32, #tpu.memory_space<hbm>> -> memref<1x10240xf32, #tpu.memory_space<hbm>>
      %dma_wait3A_16 = tpu.memref_squeeze %dma_wait3A_15 : memref<1x10240xf32, #tpu.memory_space<hbm>> -> memref<10240xf32, #tpu.memory_space<hbm>>
      tpu.wait_dma2 semaphore(%run_scoped3A : memref<!tpu.dma_semaphore, #tpu.memory_space<semaphore_mem>>) src(%arg6 : memref<10240xf32, #tpu.memory_space<vmem>>) dst(%dma_wait3A_16 : memref<10240xf32, #tpu.memory_space<hbm>>)
      tpu.yield
    }) : () -> ()
    return
  }
}

#map = affine_map<(d0, d1) -> (0, 0)>
#map1 = affine_map<(d0, d1) -> (0, 0, 0)>
module attributes {stable_mosaic.version = 14 : i64} {
  func.func @body(%arg0: i32, %arg1: i32, %arg2: memref<10000x128xf32, #tpu.memory_space<hbm>>, %arg3: memref<32x89x128xi32, #tpu.memory_space<hbm>>, %arg4: memref<32x89x128xi32, #tpu.memory_space<hbm>>, %arg5: memref<640x128xf32, #tpu.memory_space<hbm>>, %arg6: memref<2x10240x128xf32, #tpu.memory_space<hbm>>, %arg7: memref<89x128xi32, #tpu.memory_space<vmem>>, %arg8: memref<89x128xi32, #tpu.memory_space<vmem>>, %arg9: memref<128x128xf32, #tpu.memory_space<vmem>>, %arg10: memref<10240x128xf32, #tpu.memory_space<vmem_shared>>) attributes {dimension_semantics = [#tpu.dimension_semantics<core_parallel>, #tpu.dimension_semantics<subcore_parallel>], iteration_bounds = array<i64: 2, 16>, scalar_prefetch = 0 : i64, scratch_operands = 4 : i64, tpu.core_type = #tpu.core_type<sc_vector_subcore>, window_params = [{transform_indices = #map}, {transform_indices = #map1}, {transform_indices = #map1}, {transform_indices = #map}, {transform_indices = #map1}]} {
    %mul3A = arith.constant 16 : i32
    %mul3A_0 = arith.muli %arg0, %mul3A : i32
    %add3A = arith.addi %mul3A_0, %arg1 : i32
    %mul3A_1 = arith.constant 640 : i32
    %mul3A_2 = arith.muli %arg1, %mul3A_1 : i32
    "tpu.region"() ({
      %run_scoped3A = tpu.sem_alloc : memref<!tpu.dma_semaphore, #tpu.memory_space<semaphore_mem>>
      %dma_start3A = arith.constant 0 : i32
      %dma_start3A_19 = tpu.memref_slice %arg10[%mul3A_2, %dma_start3A] : memref<10240x128xf32, #tpu.memory_space<vmem_shared>> -> memref<640x128xf32, #tpu.memory_space<vmem_shared>>
      tpu.enqueue_dma source(%arg5 : memref<640x128xf32, #tpu.memory_space<hbm>>) target(%dma_start3A_19 : memref<640x128xf32, #tpu.memory_space<vmem_shared>>) target_semaphore(%run_scoped3A : memref<!tpu.dma_semaphore, #tpu.memory_space<semaphore_mem>>)
      %dma_wait3A = arith.constant 0 : i32
      %dma_wait3A_20 = tpu.memref_slice %arg10[%mul3A_2, %dma_wait3A] : memref<10240x128xf32, #tpu.memory_space<vmem_shared>> -> memref<640x128xf32, #tpu.memory_space<vmem_shared>>
      tpu.wait_dma2 semaphore(%run_scoped3A : memref<!tpu.dma_semaphore, #tpu.memory_space<semaphore_mem>>) src(%arg5 : memref<640x128xf32, #tpu.memory_space<hbm>>) dst(%dma_wait3A_20 : memref<640x128xf32, #tpu.memory_space<vmem_shared>>)
      tpu.yield
    }) : () -> ()
    "tpu.region"() ({
      %run_scoped3A = tpu.sem_alloc : memref<!tpu.dma_semaphore, #tpu.memory_space<semaphore_mem>>
      %dma_start3A = arith.constant 0 : i32
      %dma_start3A_19 = arith.constant 0 : i32
      %dma_start3A_20 = tpu.memref_slice %arg3[%add3A, %dma_start3A, %dma_start3A_19] : memref<32x89x128xi32, #tpu.memory_space<hbm>> -> memref<1x89x128xi32, #tpu.memory_space<hbm>>
      %dma_start3A_21 = tpu.memref_squeeze %dma_start3A_20 : memref<1x89x128xi32, #tpu.memory_space<hbm>> -> memref<89x128xi32, #tpu.memory_space<hbm>>
      %dma_start3A_22 = arith.constant 0 : i32
      %dma_start3A_23 = arith.constant 0 : i32
      %dma_start3A_24 = tpu.memref_slice %arg3[%add3A, %dma_start3A_22, %dma_start3A_23] : memref<32x89x128xi32, #tpu.memory_space<hbm>> -> memref<1x89x128xi32, #tpu.memory_space<hbm>>
      %dma_start3A_25 = tpu.memref_squeeze %dma_start3A_24 : memref<1x89x128xi32, #tpu.memory_space<hbm>> -> memref<89x128xi32, #tpu.memory_space<hbm>>
      tpu.enqueue_dma source(%dma_start3A_25 : memref<89x128xi32, #tpu.memory_space<hbm>>) target(%arg7 : memref<89x128xi32, #tpu.memory_space<vmem>>) target_semaphore(%run_scoped3A : memref<!tpu.dma_semaphore, #tpu.memory_space<semaphore_mem>>)
      %dma_wait3A = arith.constant 0 : i32
      %dma_wait3A_26 = arith.constant 0 : i32
      %dma_wait3A_27 = tpu.memref_slice %arg3[%add3A, %dma_wait3A, %dma_wait3A_26] : memref<32x89x128xi32, #tpu.memory_space<hbm>> -> memref<1x89x128xi32, #tpu.memory_space<hbm>>
      %dma_wait3A_28 = tpu.memref_squeeze %dma_wait3A_27 : memref<1x89x128xi32, #tpu.memory_space<hbm>> -> memref<89x128xi32, #tpu.memory_space<hbm>>
      %dma_wait3A_29 = arith.constant 0 : i32
      %dma_wait3A_30 = arith.constant 0 : i32
      %dma_wait3A_31 = tpu.memref_slice %arg3[%add3A, %dma_wait3A_29, %dma_wait3A_30] : memref<32x89x128xi32, #tpu.memory_space<hbm>> -> memref<1x89x128xi32, #tpu.memory_space<hbm>>
      %dma_wait3A_32 = tpu.memref_squeeze %dma_wait3A_31 : memref<1x89x128xi32, #tpu.memory_space<hbm>> -> memref<89x128xi32, #tpu.memory_space<hbm>>
      tpu.wait_dma2 semaphore(%run_scoped3A : memref<!tpu.dma_semaphore, #tpu.memory_space<semaphore_mem>>) src(%dma_wait3A_32 : memref<89x128xi32, #tpu.memory_space<hbm>>) dst(%arg7 : memref<89x128xi32, #tpu.memory_space<vmem>>)
      tpu.yield
    }) : () -> ()
    "tpu.region"() ({
      %run_scoped3A = tpu.sem_alloc : memref<!tpu.dma_semaphore, #tpu.memory_space<semaphore_mem>>
      %dma_start3A = arith.constant 0 : i32
      %dma_start3A_19 = arith.constant 0 : i32
      %dma_start3A_20 = tpu.memref_slice %arg4[%add3A, %dma_start3A, %dma_start3A_19] : memref<32x89x128xi32, #tpu.memory_space<hbm>> -> memref<1x89x128xi32, #tpu.memory_space<hbm>>
      %dma_start3A_21 = tpu.memref_squeeze %dma_start3A_20 : memref<1x89x128xi32, #tpu.memory_space<hbm>> -> memref<89x128xi32, #tpu.memory_space<hbm>>
      %dma_start3A_22 = arith.constant 0 : i32
      %dma_start3A_23 = arith.constant 0 : i32
      %dma_start3A_24 = tpu.memref_slice %arg4[%add3A, %dma_start3A_22, %dma_start3A_23] : memref<32x89x128xi32, #tpu.memory_space<hbm>> -> memref<1x89x128xi32, #tpu.memory_space<hbm>>
      %dma_start3A_25 = tpu.memref_squeeze %dma_start3A_24 : memref<1x89x128xi32, #tpu.memory_space<hbm>> -> memref<89x128xi32, #tpu.memory_space<hbm>>
      tpu.enqueue_dma source(%dma_start3A_25 : memref<89x128xi32, #tpu.memory_space<hbm>>) target(%arg8 : memref<89x128xi32, #tpu.memory_space<vmem>>) target_semaphore(%run_scoped3A : memref<!tpu.dma_semaphore, #tpu.memory_space<semaphore_mem>>)
      %dma_wait3A = arith.constant 0 : i32
      %dma_wait3A_26 = arith.constant 0 : i32
      %dma_wait3A_27 = tpu.memref_slice %arg4[%add3A, %dma_wait3A, %dma_wait3A_26] : memref<32x89x128xi32, #tpu.memory_space<hbm>> -> memref<1x89x128xi32, #tpu.memory_space<hbm>>
      %dma_wait3A_28 = tpu.memref_squeeze %dma_wait3A_27 : memref<1x89x128xi32, #tpu.memory_space<hbm>> -> memref<89x128xi32, #tpu.memory_space<hbm>>
      %dma_wait3A_29 = arith.constant 0 : i32
      %dma_wait3A_30 = arith.constant 0 : i32
      %dma_wait3A_31 = tpu.memref_slice %arg4[%add3A, %dma_wait3A_29, %dma_wait3A_30] : memref<32x89x128xi32, #tpu.memory_space<hbm>> -> memref<1x89x128xi32, #tpu.memory_space<hbm>>
      %dma_wait3A_32 = tpu.memref_squeeze %dma_wait3A_31 : memref<1x89x128xi32, #tpu.memory_space<hbm>> -> memref<89x128xi32, #tpu.memory_space<hbm>>
      tpu.wait_dma2 semaphore(%run_scoped3A : memref<!tpu.dma_semaphore, #tpu.memory_space<semaphore_mem>>) src(%dma_wait3A_32 : memref<89x128xi32, #tpu.memory_space<hbm>>) dst(%arg8 : memref<89x128xi32, #tpu.memory_space<vmem>>)
      tpu.yield
    }) : () -> ()
    %barrier3A = arith.constant 0 : index
    tpu.barrier barrier_id(%barrier3A)
    %eq3A = arith.constant 0 : i32
    %eq3A_3 = arith.cmpi eq, %arg0, %eq3A : i32
    %jit3A = arith.constant 89 : i32
    %jit3A_4 = arith.constant 68 : i32
    %select_n3A = arith.select %eq3A_3, %jit3A, %jit3A_4 : i32
    %while3A = arith.constant 0 : i32
    %while3A_5 = arith.constant 0 : i32
    %while3A_6 = arith.subi %select_n3A, %while3A_5 : i32
    %while3A_7 = arith.addi %while3A_5, %while3A_6 : i32
    %while3A_8 = arith.constant 1 : i32
    %while3A_9 = arith.divsi %while3A_6, %while3A_8 : i32
    %while3A_10 = arith.muli %while3A_9, %while3A_8 : i32
    %while3A_11 = arith.addi %while3A_5, %while3A_10 : i32
    %while3A_12 = arith.constant 1 : i32
    scf.for %while3A_19 = %while3A_5 to %while3A_11 step %while3A_12  : i32 {
      "tpu.region"() ({
        %run_scoped3A = tpu.sem_alloc : memref<!tpu.dma_semaphore, #tpu.memory_space<semaphore_mem>>
        %dma_start3A = arith.constant 0 : i32
        %dma_start3A_20 = tpu.memref_slice %arg7[%while3A_19, %dma_start3A] : memref<89x128xi32, #tpu.memory_space<vmem>> -> memref<1x128xi32, #tpu.memory_space<vmem>>
        %dma_start3A_21 = tpu.memref_squeeze %dma_start3A_20 : memref<1x128xi32, #tpu.memory_space<vmem>> -> memref<128xi32, #tpu.memory_space<vmem>>
        %dma_start3A_22 = arith.constant 0 : i32
        %dma_start3A_23 = arith.constant 0 : i32
        %dma_start3A_24 = tpu.memref_slice %arg2[%dma_start3A_22, %dma_start3A_23] : memref<10000x128xf32, #tpu.memory_space<hbm>> -> memref<10000x128xf32, #tpu.memory_space<hbm>>
        tpu.enqueue_indirect_dma source(%dma_start3A_24 : memref<10000x128xf32, #tpu.memory_space<hbm>>) target(%arg9 : memref<128x128xf32, #tpu.memory_space<vmem>>) offsets(%dma_start3A_21 : memref<128xi32, #tpu.memory_space<vmem>>) semaphore(%run_scoped3A : memref<!tpu.dma_semaphore, #tpu.memory_space<semaphore_mem>>)
        %dma_wait3A = arith.constant 0 : i32
        %dma_wait3A_25 = tpu.memref_slice %arg7[%while3A_19, %dma_wait3A] : memref<89x128xi32, #tpu.memory_space<vmem>> -> memref<1x128xi32, #tpu.memory_space<vmem>>
        %dma_wait3A_26 = tpu.memref_squeeze %dma_wait3A_25 : memref<1x128xi32, #tpu.memory_space<vmem>> -> memref<128xi32, #tpu.memory_space<vmem>>
        %dma_wait3A_27 = arith.constant 0 : i32
        %dma_wait3A_28 = arith.constant 0 : i32
        %dma_wait3A_29 = tpu.memref_slice %arg2[%dma_wait3A_27, %dma_wait3A_28] : memref<10000x128xf32, #tpu.memory_space<hbm>> -> memref<10000x128xf32, #tpu.memory_space<hbm>>
        tpu.wait_indirect_dma semaphore(%run_scoped3A : memref<!tpu.dma_semaphore, #tpu.memory_space<semaphore_mem>>) src(%dma_wait3A_29 : memref<10000x128xf32, #tpu.memory_space<hbm>>) dst(%arg9 : memref<128x128xf32, #tpu.memory_space<vmem>>)
        tpu.yield
      }) : () -> ()
      "tpu.region"() ({
        %run_scoped3A = tpu.sem_alloc : memref<!tpu.dma_semaphore, #tpu.memory_space<semaphore_mem>>
        %dma_start3A = arith.constant 0 : i32
        %dma_start3A_20 = tpu.memref_slice %arg8[%while3A_19, %dma_start3A] : memref<89x128xi32, #tpu.memory_space<vmem>> -> memref<1x128xi32, #tpu.memory_space<vmem>>
        %dma_start3A_21 = tpu.memref_squeeze %dma_start3A_20 : memref<1x128xi32, #tpu.memory_space<vmem>> -> memref<128xi32, #tpu.memory_space<vmem>>
        %dma_start3A_22 = arith.constant 0 : i32
        %dma_start3A_23 = arith.constant 0 : i32
        %dma_start3A_24 = tpu.memref_slice %arg10[%dma_start3A_22, %dma_start3A_23] : memref<10240x128xf32, #tpu.memory_space<vmem_shared>> -> memref<10240x128xf32, #tpu.memory_space<vmem_shared>>
        tpu.enqueue_indirect_dma source(%arg9 : memref<128x128xf32, #tpu.memory_space<vmem>>) target(%dma_start3A_24 : memref<10240x128xf32, #tpu.memory_space<vmem_shared>>) offsets(%dma_start3A_21 : memref<128xi32, #tpu.memory_space<vmem>>) semaphore(%run_scoped3A : memref<!tpu.dma_semaphore, #tpu.memory_space<semaphore_mem>>) {add = true}
        %dma_wait3A = arith.constant 0 : i32
        %dma_wait3A_25 = tpu.memref_slice %arg8[%while3A_19, %dma_wait3A] : memref<89x128xi32, #tpu.memory_space<vmem>> -> memref<1x128xi32, #tpu.memory_space<vmem>>
        %dma_wait3A_26 = tpu.memref_squeeze %dma_wait3A_25 : memref<1x128xi32, #tpu.memory_space<vmem>> -> memref<128xi32, #tpu.memory_space<vmem>>
        %dma_wait3A_27 = arith.constant 0 : i32
        %dma_wait3A_28 = arith.constant 0 : i32
        %dma_wait3A_29 = tpu.memref_slice %arg10[%dma_wait3A_27, %dma_wait3A_28] : memref<10240x128xf32, #tpu.memory_space<vmem_shared>> -> memref<10240x128xf32, #tpu.memory_space<vmem_shared>>
        tpu.wait_indirect_dma semaphore(%run_scoped3A : memref<!tpu.dma_semaphore, #tpu.memory_space<semaphore_mem>>) src(%arg9 : memref<128x128xf32, #tpu.memory_space<vmem>>) dst(%dma_wait3A_29 : memref<10240x128xf32, #tpu.memory_space<vmem_shared>>)
        tpu.yield
      }) : () -> ()
    }
    %while3A_13 = arith.constant 1 : i32
    scf.for %while3A_19 = %while3A_11 to %while3A_7 step %while3A_13  : i32 {
      "tpu.region"() ({
        %run_scoped3A = tpu.sem_alloc : memref<!tpu.dma_semaphore, #tpu.memory_space<semaphore_mem>>
        %dma_start3A = arith.constant 0 : i32
        %dma_start3A_20 = tpu.memref_slice %arg7[%while3A_19, %dma_start3A] : memref<89x128xi32, #tpu.memory_space<vmem>> -> memref<1x128xi32, #tpu.memory_space<vmem>>
        %dma_start3A_21 = tpu.memref_squeeze %dma_start3A_20 : memref<1x128xi32, #tpu.memory_space<vmem>> -> memref<128xi32, #tpu.memory_space<vmem>>
        %dma_start3A_22 = arith.constant 0 : i32
        %dma_start3A_23 = arith.constant 0 : i32
        %dma_start3A_24 = tpu.memref_slice %arg2[%dma_start3A_22, %dma_start3A_23] : memref<10000x128xf32, #tpu.memory_space<hbm>> -> memref<10000x128xf32, #tpu.memory_space<hbm>>
        tpu.enqueue_indirect_dma source(%dma_start3A_24 : memref<10000x128xf32, #tpu.memory_space<hbm>>) target(%arg9 : memref<128x128xf32, #tpu.memory_space<vmem>>) offsets(%dma_start3A_21 : memref<128xi32, #tpu.memory_space<vmem>>) semaphore(%run_scoped3A : memref<!tpu.dma_semaphore, #tpu.memory_space<semaphore_mem>>)
        %dma_wait3A = arith.constant 0 : i32
        %dma_wait3A_25 = tpu.memref_slice %arg7[%while3A_19, %dma_wait3A] : memref<89x128xi32, #tpu.memory_space<vmem>> -> memref<1x128xi32, #tpu.memory_space<vmem>>
        %dma_wait3A_26 = tpu.memref_squeeze %dma_wait3A_25 : memref<1x128xi32, #tpu.memory_space<vmem>> -> memref<128xi32, #tpu.memory_space<vmem>>
        %dma_wait3A_27 = arith.constant 0 : i32
        %dma_wait3A_28 = arith.constant 0 : i32
        %dma_wait3A_29 = tpu.memref_slice %arg2[%dma_wait3A_27, %dma_wait3A_28] : memref<10000x128xf32, #tpu.memory_space<hbm>> -> memref<10000x128xf32, #tpu.memory_space<hbm>>
        tpu.wait_indirect_dma semaphore(%run_scoped3A : memref<!tpu.dma_semaphore, #tpu.memory_space<semaphore_mem>>) src(%dma_wait3A_29 : memref<10000x128xf32, #tpu.memory_space<hbm>>) dst(%arg9 : memref<128x128xf32, #tpu.memory_space<vmem>>)
        tpu.yield
      }) : () -> ()
      "tpu.region"() ({
        %run_scoped3A = tpu.sem_alloc : memref<!tpu.dma_semaphore, #tpu.memory_space<semaphore_mem>>
        %dma_start3A = arith.constant 0 : i32
        %dma_start3A_20 = tpu.memref_slice %arg8[%while3A_19, %dma_start3A] : memref<89x128xi32, #tpu.memory_space<vmem>> -> memref<1x128xi32, #tpu.memory_space<vmem>>
        %dma_start3A_21 = tpu.memref_squeeze %dma_start3A_20 : memref<1x128xi32, #tpu.memory_space<vmem>> -> memref<128xi32, #tpu.memory_space<vmem>>
        %dma_start3A_22 = arith.constant 0 : i32
        %dma_start3A_23 = arith.constant 0 : i32
        %dma_start3A_24 = tpu.memref_slice %arg10[%dma_start3A_22, %dma_start3A_23] : memref<10240x128xf32, #tpu.memory_space<vmem_shared>> -> memref<10240x128xf32, #tpu.memory_space<vmem_shared>>
        tpu.enqueue_indirect_dma source(%arg9 : memref<128x128xf32, #tpu.memory_space<vmem>>) target(%dma_start3A_24 : memref<10240x128xf32, #tpu.memory_space<vmem_shared>>) offsets(%dma_start3A_21 : memref<128xi32, #tpu.memory_space<vmem>>) semaphore(%run_scoped3A : memref<!tpu.dma_semaphore, #tpu.memory_space<semaphore_mem>>) {add = true}
        %dma_wait3A = arith.constant 0 : i32
        %dma_wait3A_25 = tpu.memref_slice %arg8[%while3A_19, %dma_wait3A] : memref<89x128xi32, #tpu.memory_space<vmem>> -> memref<1x128xi32, #tpu.memory_space<vmem>>
        %dma_wait3A_26 = tpu.memref_squeeze %dma_wait3A_25 : memref<1x128xi32, #tpu.memory_space<vmem>> -> memref<128xi32, #tpu.memory_space<vmem>>
        %dma_wait3A_27 = arith.constant 0 : i32
        %dma_wait3A_28 = arith.constant 0 : i32
        %dma_wait3A_29 = tpu.memref_slice %arg10[%dma_wait3A_27, %dma_wait3A_28] : memref<10240x128xf32, #tpu.memory_space<vmem_shared>> -> memref<10240x128xf32, #tpu.memory_space<vmem_shared>>
        tpu.wait_indirect_dma semaphore(%run_scoped3A : memref<!tpu.dma_semaphore, #tpu.memory_space<semaphore_mem>>) src(%arg9 : memref<128x128xf32, #tpu.memory_space<vmem>>) dst(%dma_wait3A_29 : memref<10240x128xf32, #tpu.memory_space<vmem_shared>>)
        tpu.yield
      }) : () -> ()
    }
    %barrier3A_14 = arith.constant 0 : index
    tpu.barrier barrier_id(%barrier3A_14)
    %mul3A_15 = arith.constant 640 : i32
    %mul3A_16 = arith.muli %arg1, %mul3A_15 : i32
    %mul3A_17 = arith.constant 640 : i32
    %mul3A_18 = arith.muli %arg1, %mul3A_17 : i32
    "tpu.region"() ({
      %run_scoped3A = tpu.sem_alloc : memref<!tpu.dma_semaphore, #tpu.memory_space<semaphore_mem>>
      %dma_start3A = arith.constant 0 : i32
      %dma_start3A_19 = tpu.memref_slice %arg6[%arg0, %mul3A_18, %dma_start3A] : memref<2x10240x128xf32, #tpu.memory_space<hbm>> -> memref<1x640x128xf32, #tpu.memory_space<hbm>>
      %dma_start3A_20 = tpu.memref_squeeze %dma_start3A_19 : memref<1x640x128xf32, #tpu.memory_space<hbm>> -> memref<640x128xf32, #tpu.memory_space<hbm>>
      %dma_start3A_21 = arith.constant 0 : i32
      %dma_start3A_22 = tpu.memref_slice %arg10[%mul3A_16, %dma_start3A_21] : memref<10240x128xf32, #tpu.memory_space<vmem_shared>> -> memref<640x128xf32, #tpu.memory_space<vmem_shared>>
      tpu.enqueue_dma source(%dma_start3A_22 : memref<640x128xf32, #tpu.memory_space<vmem_shared>>) target(%dma_start3A_20 : memref<640x128xf32, #tpu.memory_space<hbm>>) target_semaphore(%run_scoped3A : memref<!tpu.dma_semaphore, #tpu.memory_space<semaphore_mem>>)
      %dma_wait3A = arith.constant 0 : i32
      %dma_wait3A_23 = tpu.memref_slice %arg6[%arg0, %mul3A_18, %dma_wait3A] : memref<2x10240x128xf32, #tpu.memory_space<hbm>> -> memref<1x640x128xf32, #tpu.memory_space<hbm>>
      %dma_wait3A_24 = tpu.memref_squeeze %dma_wait3A_23 : memref<1x640x128xf32, #tpu.memory_space<hbm>> -> memref<640x128xf32, #tpu.memory_space<hbm>>
      %dma_wait3A_25 = arith.constant 0 : i32
      %dma_wait3A_26 = tpu.memref_slice %arg10[%mul3A_16, %dma_wait3A_25] : memref<10240x128xf32, #tpu.memory_space<vmem_shared>> -> memref<640x128xf32, #tpu.memory_space<vmem_shared>>
      tpu.wait_dma2 semaphore(%run_scoped3A : memref<!tpu.dma_semaphore, #tpu.memory_space<semaphore_mem>>) src(%dma_wait3A_26 : memref<640x128xf32, #tpu.memory_space<vmem_shared>>) dst(%dma_wait3A_24 : memref<640x128xf32, #tpu.memory_space<hbm>>)
      tpu.yield
    }) : () -> ()
    return
  }
}

#map = affine_map<(d0, d1) -> (0, 0)>
#map1 = affine_map<(d0, d1) -> (0, 0, 0)>
module attributes {stable_mosaic.version = 14 : i64} {
  func.func @body(%arg0: i32, %arg1: i32, %arg2: memref<10000x128xf32, #tpu.memory_space<hbm>>, %arg3: memref<32x89x128xi32, #tpu.memory_space<hbm>>, %arg4: memref<32x89x128xi32, #tpu.memory_space<hbm>>, %arg5: memref<640x128xf32, #tpu.memory_space<hbm>>, %arg6: memref<2x10240x128xf32, #tpu.memory_space<hbm>>, %arg7: memref<89x128xi32, #tpu.memory_space<vmem>>, %arg8: memref<89x128xi32, #tpu.memory_space<vmem>>, %arg9: memref<128x128xf32, #tpu.memory_space<vmem>>, %arg10: memref<10240x128xf32, #tpu.memory_space<vmem_shared>>) attributes {dimension_semantics = [#tpu.dimension_semantics<core_parallel>, #tpu.dimension_semantics<subcore_parallel>], iteration_bounds = array<i64: 2, 16>, scalar_prefetch = 0 : i64, scratch_operands = 4 : i64, tpu.core_type = #tpu.core_type<sc_vector_subcore>, window_params = [{transform_indices = #map}, {transform_indices = #map1}, {transform_indices = #map1}, {transform_indices = #map}, {transform_indices = #map1}]} {
    %mul3A = arith.constant 16 : i32
    %mul3A_0 = arith.muli %arg0, %mul3A : i32
    %add3A = arith.addi %mul3A_0, %arg1 : i32
    %mul3A_1 = arith.constant 640 : i32
    %mul3A_2 = arith.muli %arg1, %mul3A_1 : i32
    "tpu.region"() ({
      %run_scoped3A = tpu.sem_alloc : memref<!tpu.dma_semaphore, #tpu.memory_space<semaphore_mem>>
      %dma_start3A = arith.constant 0 : i32
      %dma_start3A_19 = tpu.memref_slice %arg10[%mul3A_2, %dma_start3A] : memref<10240x128xf32, #tpu.memory_space<vmem_shared>> -> memref<640x128xf32, #tpu.memory_space<vmem_shared>>
      tpu.enqueue_dma source(%arg5 : memref<640x128xf32, #tpu.memory_space<hbm>>) target(%dma_start3A_19 : memref<640x128xf32, #tpu.memory_space<vmem_shared>>) target_semaphore(%run_scoped3A : memref<!tpu.dma_semaphore, #tpu.memory_space<semaphore_mem>>)
      %dma_wait3A = arith.constant 0 : i32
      %dma_wait3A_20 = tpu.memref_slice %arg10[%mul3A_2, %dma_wait3A] : memref<10240x128xf32, #tpu.memory_space<vmem_shared>> -> memref<640x128xf32, #tpu.memory_space<vmem_shared>>
      tpu.wait_dma2 semaphore(%run_scoped3A : memref<!tpu.dma_semaphore, #tpu.memory_space<semaphore_mem>>) src(%arg5 : memref<640x128xf32, #tpu.memory_space<hbm>>) dst(%dma_wait3A_20 : memref<640x128xf32, #tpu.memory_space<vmem_shared>>)
      tpu.yield
    }) : () -> ()
    "tpu.region"() ({
      %run_scoped3A = tpu.sem_alloc : memref<!tpu.dma_semaphore, #tpu.memory_space<semaphore_mem>>
      %dma_start3A = arith.constant 0 : i32
      %dma_start3A_19 = arith.constant 0 : i32
      %dma_start3A_20 = tpu.memref_slice %arg3[%add3A, %dma_start3A, %dma_start3A_19] : memref<32x89x128xi32, #tpu.memory_space<hbm>> -> memref<1x89x128xi32, #tpu.memory_space<hbm>>
      %dma_start3A_21 = tpu.memref_squeeze %dma_start3A_20 : memref<1x89x128xi32, #tpu.memory_space<hbm>> -> memref<89x128xi32, #tpu.memory_space<hbm>>
      %dma_start3A_22 = arith.constant 0 : i32
      %dma_start3A_23 = arith.constant 0 : i32
      %dma_start3A_24 = tpu.memref_slice %arg3[%add3A, %dma_start3A_22, %dma_start3A_23] : memref<32x89x128xi32, #tpu.memory_space<hbm>> -> memref<1x89x128xi32, #tpu.memory_space<hbm>>
      %dma_start3A_25 = tpu.memref_squeeze %dma_start3A_24 : memref<1x89x128xi32, #tpu.memory_space<hbm>> -> memref<89x128xi32, #tpu.memory_space<hbm>>
      tpu.enqueue_dma source(%dma_start3A_25 : memref<89x128xi32, #tpu.memory_space<hbm>>) target(%arg7 : memref<89x128xi32, #tpu.memory_space<vmem>>) target_semaphore(%run_scoped3A : memref<!tpu.dma_semaphore, #tpu.memory_space<semaphore_mem>>)
      %dma_wait3A = arith.constant 0 : i32
      %dma_wait3A_26 = arith.constant 0 : i32
      %dma_wait3A_27 = tpu.memref_slice %arg3[%add3A, %dma_wait3A, %dma_wait3A_26] : memref<32x89x128xi32, #tpu.memory_space<hbm>> -> memref<1x89x128xi32, #tpu.memory_space<hbm>>
      %dma_wait3A_28 = tpu.memref_squeeze %dma_wait3A_27 : memref<1x89x128xi32, #tpu.memory_space<hbm>> -> memref<89x128xi32, #tpu.memory_space<hbm>>
      %dma_wait3A_29 = arith.constant 0 : i32
      %dma_wait3A_30 = arith.constant 0 : i32
      %dma_wait3A_31 = tpu.memref_slice %arg3[%add3A, %dma_wait3A_29, %dma_wait3A_30] : memref<32x89x128xi32, #tpu.memory_space<hbm>> -> memref<1x89x128xi32, #tpu.memory_space<hbm>>
      %dma_wait3A_32 = tpu.memref_squeeze %dma_wait3A_31 : memref<1x89x128xi32, #tpu.memory_space<hbm>> -> memref<89x128xi32, #tpu.memory_space<hbm>>
      tpu.wait_dma2 semaphore(%run_scoped3A : memref<!tpu.dma_semaphore, #tpu.memory_space<semaphore_mem>>) src(%dma_wait3A_32 : memref<89x128xi32, #tpu.memory_space<hbm>>) dst(%arg7 : memref<89x128xi32, #tpu.memory_space<vmem>>)
      tpu.yield
    }) : () -> ()
    "tpu.region"() ({
      %run_scoped3A = tpu.sem_alloc : memref<!tpu.dma_semaphore, #tpu.memory_space<semaphore_mem>>
      %dma_start3A = arith.constant 0 : i32
      %dma_start3A_19 = arith.constant 0 : i32
      %dma_start3A_20 = tpu.memref_slice %arg4[%add3A, %dma_start3A, %dma_start3A_19] : memref<32x89x128xi32, #tpu.memory_space<hbm>> -> memref<1x89x128xi32, #tpu.memory_space<hbm>>
      %dma_start3A_21 = tpu.memref_squeeze %dma_start3A_20 : memref<1x89x128xi32, #tpu.memory_space<hbm>> -> memref<89x128xi32, #tpu.memory_space<hbm>>
      %dma_start3A_22 = arith.constant 0 : i32
      %dma_start3A_23 = arith.constant 0 : i32
      %dma_start3A_24 = tpu.memref_slice %arg4[%add3A, %dma_start3A_22, %dma_start3A_23] : memref<32x89x128xi32, #tpu.memory_space<hbm>> -> memref<1x89x128xi32, #tpu.memory_space<hbm>>
      %dma_start3A_25 = tpu.memref_squeeze %dma_start3A_24 : memref<1x89x128xi32, #tpu.memory_space<hbm>> -> memref<89x128xi32, #tpu.memory_space<hbm>>
      tpu.enqueue_dma source(%dma_start3A_25 : memref<89x128xi32, #tpu.memory_space<hbm>>) target(%arg8 : memref<89x128xi32, #tpu.memory_space<vmem>>) target_semaphore(%run_scoped3A : memref<!tpu.dma_semaphore, #tpu.memory_space<semaphore_mem>>)
      %dma_wait3A = arith.constant 0 : i32
      %dma_wait3A_26 = arith.constant 0 : i32
      %dma_wait3A_27 = tpu.memref_slice %arg4[%add3A, %dma_wait3A, %dma_wait3A_26] : memref<32x89x128xi32, #tpu.memory_space<hbm>> -> memref<1x89x128xi32, #tpu.memory_space<hbm>>
      %dma_wait3A_28 = tpu.memref_squeeze %dma_wait3A_27 : memref<1x89x128xi32, #tpu.memory_space<hbm>> -> memref<89x128xi32, #tpu.memory_space<hbm>>
      %dma_wait3A_29 = arith.constant 0 : i32
      %dma_wait3A_30 = arith.constant 0 : i32
      %dma_wait3A_31 = tpu.memref_slice %arg4[%add3A, %dma_wait3A_29, %dma_wait3A_30] : memref<32x89x128xi32, #tpu.memory_space<hbm>> -> memref<1x89x128xi32, #tpu.memory_space<hbm>>
      %dma_wait3A_32 = tpu.memref_squeeze %dma_wait3A_31 : memref<1x89x128xi32, #tpu.memory_space<hbm>> -> memref<89x128xi32, #tpu.memory_space<hbm>>
      tpu.wait_dma2 semaphore(%run_scoped3A : memref<!tpu.dma_semaphore, #tpu.memory_space<semaphore_mem>>) src(%dma_wait3A_32 : memref<89x128xi32, #tpu.memory_space<hbm>>) dst(%arg8 : memref<89x128xi32, #tpu.memory_space<vmem>>)
      tpu.yield
    }) : () -> ()
    %barrier3A = arith.constant 0 : index
    tpu.barrier barrier_id(%barrier3A)
    %eq3A = arith.constant 0 : i32
    %eq3A_3 = arith.cmpi eq, %arg0, %eq3A : i32
    %jit3A = arith.constant 89 : i32
    %jit3A_4 = arith.constant 68 : i32
    %select_n3A = arith.select %eq3A_3, %jit3A, %jit3A_4 : i32
    %while3A = arith.constant 0 : i32
    %while3A_5 = arith.constant 0 : i32
    %while3A_6 = arith.subi %select_n3A, %while3A_5 : i32
    %while3A_7 = arith.addi %while3A_5, %while3A_6 : i32
    %while3A_8 = arith.constant 1 : i32
    %while3A_9 = arith.divsi %while3A_6, %while3A_8 : i32
    %while3A_10 = arith.muli %while3A_9, %while3A_8 : i32
    %while3A_11 = arith.addi %while3A_5, %while3A_10 : i32
    %while3A_12 = arith.constant 1 : i32
    scf.for %while3A_19 = %while3A_5 to %while3A_11 step %while3A_12  : i32 {
      "tpu.region"() ({
        %run_scoped3A = tpu.sem_alloc : memref<!tpu.dma_semaphore, #tpu.memory_space<semaphore_mem>>
        %dma_start3A = arith.constant 0 : i32
        %dma_start3A_20 = tpu.memref_slice %arg7[%while3A_19, %dma_start3A] : memref<89x128xi32, #tpu.memory_space<vmem>> -> memref<1x128xi32, #tpu.memory_space<vmem>>
        %dma_start3A_21 = tpu.memref_squeeze %dma_start3A_20 : memref<1x128xi32, #tpu.memory_space<vmem>> -> memref<128xi32, #tpu.memory_space<vmem>>
        %dma_start3A_22 = arith.constant 0 : i32
        %dma_start3A_23 = arith.constant 0 : i32
        %dma_start3A_24 = tpu.memref_slice %arg2[%dma_start3A_22, %dma_start3A_23] : memref<10000x128xf32, #tpu.memory_space<hbm>> -> memref<10000x128xf32, #tpu.memory_space<hbm>>
        tpu.enqueue_indirect_dma source(%dma_start3A_24 : memref<10000x128xf32, #tpu.memory_space<hbm>>) target(%arg9 : memref<128x128xf32, #tpu.memory_space<vmem>>) offsets(%dma_start3A_21 : memref<128xi32, #tpu.memory_space<vmem>>) semaphore(%run_scoped3A : memref<!tpu.dma_semaphore, #tpu.memory_space<semaphore_mem>>)
        %dma_wait3A = arith.constant 0 : i32
        %dma_wait3A_25 = tpu.memref_slice %arg7[%while3A_19, %dma_wait3A] : memref<89x128xi32, #tpu.memory_space<vmem>> -> memref<1x128xi32, #tpu.memory_space<vmem>>
        %dma_wait3A_26 = tpu.memref_squeeze %dma_wait3A_25 : memref<1x128xi32, #tpu.memory_space<vmem>> -> memref<128xi32, #tpu.memory_space<vmem>>
        %dma_wait3A_27 = arith.constant 0 : i32
        %dma_wait3A_28 = arith.constant 0 : i32
        %dma_wait3A_29 = tpu.memref_slice %arg2[%dma_wait3A_27, %dma_wait3A_28] : memref<10000x128xf32, #tpu.memory_space<hbm>> -> memref<10000x128xf32, #tpu.memory_space<hbm>>
        tpu.wait_indirect_dma semaphore(%run_scoped3A : memref<!tpu.dma_semaphore, #tpu.memory_space<semaphore_mem>>) src(%dma_wait3A_29 : memref<10000x128xf32, #tpu.memory_space<hbm>>) dst(%arg9 : memref<128x128xf32, #tpu.memory_space<vmem>>)
        tpu.yield
      }) : () -> ()
      "tpu.region"() ({
        %run_scoped3A = tpu.sem_alloc : memref<!tpu.dma_semaphore, #tpu.memory_space<semaphore_mem>>
        %dma_start3A = arith.constant 0 : i32
        %dma_start3A_20 = tpu.memref_slice %arg8[%while3A_19, %dma_start3A] : memref<89x128xi32, #tpu.memory_space<vmem>> -> memref<1x128xi32, #tpu.memory_space<vmem>>
        %dma_start3A_21 = tpu.memref_squeeze %dma_start3A_20 : memref<1x128xi32, #tpu.memory_space<vmem>> -> memref<128xi32, #tpu.memory_space<vmem>>
        %dma_start3A_22 = arith.constant 0 : i32
        %dma_start3A_23 = arith.constant 0 : i32
        %dma_start3A_24 = tpu.memref_slice %arg10[%dma_start3A_22, %dma_start3A_23] : memref<10240x128xf32, #tpu.memory_space<vmem_shared>> -> memref<10240x128xf32, #tpu.memory_space<vmem_shared>>
        tpu.enqueue_indirect_dma source(%arg9 : memref<128x128xf32, #tpu.memory_space<vmem>>) target(%dma_start3A_24 : memref<10240x128xf32, #tpu.memory_space<vmem_shared>>) offsets(%dma_start3A_21 : memref<128xi32, #tpu.memory_space<vmem>>) semaphore(%run_scoped3A : memref<!tpu.dma_semaphore, #tpu.memory_space<semaphore_mem>>) {add = true}
        %dma_wait3A = arith.constant 0 : i32
        %dma_wait3A_25 = tpu.memref_slice %arg8[%while3A_19, %dma_wait3A] : memref<89x128xi32, #tpu.memory_space<vmem>> -> memref<1x128xi32, #tpu.memory_space<vmem>>
        %dma_wait3A_26 = tpu.memref_squeeze %dma_wait3A_25 : memref<1x128xi32, #tpu.memory_space<vmem>> -> memref<128xi32, #tpu.memory_space<vmem>>
        %dma_wait3A_27 = arith.constant 0 : i32
        %dma_wait3A_28 = arith.constant 0 : i32
        %dma_wait3A_29 = tpu.memref_slice %arg10[%dma_wait3A_27, %dma_wait3A_28] : memref<10240x128xf32, #tpu.memory_space<vmem_shared>> -> memref<10240x128xf32, #tpu.memory_space<vmem_shared>>
        tpu.wait_indirect_dma semaphore(%run_scoped3A : memref<!tpu.dma_semaphore, #tpu.memory_space<semaphore_mem>>) src(%arg9 : memref<128x128xf32, #tpu.memory_space<vmem>>) dst(%dma_wait3A_29 : memref<10240x128xf32, #tpu.memory_space<vmem_shared>>)
        tpu.yield
      }) : () -> ()
    }
    %while3A_13 = arith.constant 1 : i32
    scf.for %while3A_19 = %while3A_11 to %while3A_7 step %while3A_13  : i32 {
      "tpu.region"() ({
        %run_scoped3A = tpu.sem_alloc : memref<!tpu.dma_semaphore, #tpu.memory_space<semaphore_mem>>
        %dma_start3A = arith.constant 0 : i32
        %dma_start3A_20 = tpu.memref_slice %arg7[%while3A_19, %dma_start3A] : memref<89x128xi32, #tpu.memory_space<vmem>> -> memref<1x128xi32, #tpu.memory_space<vmem>>
        %dma_start3A_21 = tpu.memref_squeeze %dma_start3A_20 : memref<1x128xi32, #tpu.memory_space<vmem>> -> memref<128xi32, #tpu.memory_space<vmem>>
        %dma_start3A_22 = arith.constant 0 : i32
        %dma_start3A_23 = arith.constant 0 : i32
        %dma_start3A_24 = tpu.memref_slice %arg2[%dma_start3A_22, %dma_start3A_23] : memref<10000x128xf32, #tpu.memory_space<hbm>> -> memref<10000x128xf32, #tpu.memory_space<hbm>>
        tpu.enqueue_indirect_dma source(%dma_start3A_24 : memref<10000x128xf32, #tpu.memory_space<hbm>>) target(%arg9 : memref<128x128xf32, #tpu.memory_space<vmem>>) offsets(%dma_start3A_21 : memref<128xi32, #tpu.memory_space<vmem>>) semaphore(%run_scoped3A : memref<!tpu.dma_semaphore, #tpu.memory_space<semaphore_mem>>)
        %dma_wait3A = arith.constant 0 : i32
        %dma_wait3A_25 = tpu.memref_slice %arg7[%while3A_19, %dma_wait3A] : memref<89x128xi32, #tpu.memory_space<vmem>> -> memref<1x128xi32, #tpu.memory_space<vmem>>
        %dma_wait3A_26 = tpu.memref_squeeze %dma_wait3A_25 : memref<1x128xi32, #tpu.memory_space<vmem>> -> memref<128xi32, #tpu.memory_space<vmem>>
        %dma_wait3A_27 = arith.constant 0 : i32
        %dma_wait3A_28 = arith.constant 0 : i32
        %dma_wait3A_29 = tpu.memref_slice %arg2[%dma_wait3A_27, %dma_wait3A_28] : memref<10000x128xf32, #tpu.memory_space<hbm>> -> memref<10000x128xf32, #tpu.memory_space<hbm>>
        tpu.wait_indirect_dma semaphore(%run_scoped3A : memref<!tpu.dma_semaphore, #tpu.memory_space<semaphore_mem>>) src(%dma_wait3A_29 : memref<10000x128xf32, #tpu.memory_space<hbm>>) dst(%arg9 : memref<128x128xf32, #tpu.memory_space<vmem>>)
        tpu.yield
      }) : () -> ()
      "tpu.region"() ({
        %run_scoped3A = tpu.sem_alloc : memref<!tpu.dma_semaphore, #tpu.memory_space<semaphore_mem>>
        %dma_start3A = arith.constant 0 : i32
        %dma_start3A_20 = tpu.memref_slice %arg8[%while3A_19, %dma_start3A] : memref<89x128xi32, #tpu.memory_space<vmem>> -> memref<1x128xi32, #tpu.memory_space<vmem>>
        %dma_start3A_21 = tpu.memref_squeeze %dma_start3A_20 : memref<1x128xi32, #tpu.memory_space<vmem>> -> memref<128xi32, #tpu.memory_space<vmem>>
        %dma_start3A_22 = arith.constant 0 : i32
        %dma_start3A_23 = arith.constant 0 : i32
        %dma_start3A_24 = tpu.memref_slice %arg10[%dma_start3A_22, %dma_start3A_23] : memref<10240x128xf32, #tpu.memory_space<vmem_shared>> -> memref<10240x128xf32, #tpu.memory_space<vmem_shared>>
        tpu.enqueue_indirect_dma source(%arg9 : memref<128x128xf32, #tpu.memory_space<vmem>>) target(%dma_start3A_24 : memref<10240x128xf32, #tpu.memory_space<vmem_shared>>) offsets(%dma_start3A_21 : memref<128xi32, #tpu.memory_space<vmem>>) semaphore(%run_scoped3A : memref<!tpu.dma_semaphore, #tpu.memory_space<semaphore_mem>>) {add = true}
        %dma_wait3A = arith.constant 0 : i32
        %dma_wait3A_25 = tpu.memref_slice %arg8[%while3A_19, %dma_wait3A] : memref<89x128xi32, #tpu.memory_space<vmem>> -> memref<1x128xi32, #tpu.memory_space<vmem>>
        %dma_wait3A_26 = tpu.memref_squeeze %dma_wait3A_25 : memref<1x128xi32, #tpu.memory_space<vmem>> -> memref<128xi32, #tpu.memory_space<vmem>>
        %dma_wait3A_27 = arith.constant 0 : i32
        %dma_wait3A_28 = arith.constant 0 : i32
        %dma_wait3A_29 = tpu.memref_slice %arg10[%dma_wait3A_27, %dma_wait3A_28] : memref<10240x128xf32, #tpu.memory_space<vmem_shared>> -> memref<10240x128xf32, #tpu.memory_space<vmem_shared>>
        tpu.wait_indirect_dma semaphore(%run_scoped3A : memref<!tpu.dma_semaphore, #tpu.memory_space<semaphore_mem>>) src(%arg9 : memref<128x128xf32, #tpu.memory_space<vmem>>) dst(%dma_wait3A_29 : memref<10240x128xf32, #tpu.memory_space<vmem_shared>>)
        tpu.yield
      }) : () -> ()
    }
    %barrier3A_14 = arith.constant 0 : index
    tpu.barrier barrier_id(%barrier3A_14)
    %mul3A_15 = arith.constant 640 : i32
    %mul3A_16 = arith.muli %arg1, %mul3A_15 : i32
    %mul3A_17 = arith.constant 640 : i32
    %mul3A_18 = arith.muli %arg1, %mul3A_17 : i32
    "tpu.region"() ({
      %run_scoped3A = tpu.sem_alloc : memref<!tpu.dma_semaphore, #tpu.memory_space<semaphore_mem>>
      %dma_start3A = arith.constant 0 : i32
      %dma_start3A_19 = tpu.memref_slice %arg6[%arg0, %mul3A_18, %dma_start3A] : memref<2x10240x128xf32, #tpu.memory_space<hbm>> -> memref<1x640x128xf32, #tpu.memory_space<hbm>>
      %dma_start3A_20 = tpu.memref_squeeze %dma_start3A_19 : memref<1x640x128xf32, #tpu.memory_space<hbm>> -> memref<640x128xf32, #tpu.memory_space<hbm>>
      %dma_start3A_21 = arith.constant 0 : i32
      %dma_start3A_22 = tpu.memref_slice %arg10[%mul3A_16, %dma_start3A_21] : memref<10240x128xf32, #tpu.memory_space<vmem_shared>> -> memref<640x128xf32, #tpu.memory_space<vmem_shared>>
      tpu.enqueue_dma source(%dma_start3A_22 : memref<640x128xf32, #tpu.memory_space<vmem_shared>>) target(%dma_start3A_20 : memref<640x128xf32, #tpu.memory_space<hbm>>) target_semaphore(%run_scoped3A : memref<!tpu.dma_semaphore, #tpu.memory_space<semaphore_mem>>)
      %dma_wait3A = arith.constant 0 : i32
      %dma_wait3A_23 = tpu.memref_slice %arg6[%arg0, %mul3A_18, %dma_wait3A] : memref<2x10240x128xf32, #tpu.memory_space<hbm>> -> memref<1x640x128xf32, #tpu.memory_space<hbm>>
      %dma_wait3A_24 = tpu.memref_squeeze %dma_wait3A_23 : memref<1x640x128xf32, #tpu.memory_space<hbm>> -> memref<640x128xf32, #tpu.memory_space<hbm>>
      %dma_wait3A_25 = arith.constant 0 : i32
      %dma_wait3A_26 = tpu.memref_slice %arg10[%mul3A_16, %dma_wait3A_25] : memref<10240x128xf32, #tpu.memory_space<vmem_shared>> -> memref<640x128xf32, #tpu.memory_space<vmem_shared>>
      tpu.wait_dma2 semaphore(%run_scoped3A : memref<!tpu.dma_semaphore, #tpu.memory_space<semaphore_mem>>) src(%dma_wait3A_26 : memref<640x128xf32, #tpu.memory_space<vmem_shared>>) dst(%dma_wait3A_24 : memref<640x128xf32, #tpu.memory_space<hbm>>)
      tpu.yield
    }) : () -> ()
    return
  }
}

module attributes {stable_mosaic.version = 14 : i64} {
  func.func @_tc_dense1(%arg0: memref<10240x32xf32, #tpu.memory_space<vmem>>, %arg1: memref<10000x128xf32, #tpu.memory_space<vmem>>, %arg2: memref<128x128xf32, #tpu.memory_space<vmem>>, %arg3: memref<10000x1xf32, #tpu.memory_space<vmem>>, %arg4: memref<10000x128xf32, #tpu.memory_space<vmem>>) attributes {dimension_semantics = [], scalar_prefetch = 0 : i64, scratch_operands = 0 : i64, tpu.core_type = #tpu.core_type<tc>} {
    %get3A = arith.constant 0 : index
    %get3A_0 = arith.constant 0 : index
    %get3A_1 = vector.load %arg0[%get3A, %get3A_0] : memref<10240x32xf32, #tpu.memory_space<vmem>>, vector<10240x32xf32>
    %reduce_sum3A = arith.constant dense<0.000000e+00> : vector<10240xf32>
    %reduce_sum3A_2 = vector.multi_reduction <add>, %get3A_1, %reduce_sum3A [1] : vector<10240x32xf32> to vector<10240xf32>
    %broadcast_in_dim3A = vector.shape_cast %reduce_sum3A_2 : vector<10240xf32> to vector<10240x1xf32>
    %slice3A = vector.extract_strided_slice %broadcast_in_dim3A {offsets = [0, 0], sizes = [10000, 1], strides = [1, 1]} : vector<10240x1xf32> to vector<10000x1xf32>
    %add3A = arith.constant 1.000000e+00 : f32
    %add3A_3 = vector.broadcast %add3A : f32 to vector<10000x1xf32>
    %add3A_4 = arith.addf %slice3A, %add3A_3 : vector<10000x1xf32>
    %rsqrt3A = math.rsqrt %add3A_4 : vector<10000x1xf32>
    %swap3A = arith.constant 0 : index
    %swap3A_5 = arith.constant 0 : index
    %swap3A_6 = vector.load %arg3[%swap3A, %swap3A_5] : memref<10000x1xf32, #tpu.memory_space<vmem>>, vector<10000x1xf32>
    tpu.vector_store %arg3[%swap3A, %swap3A_5], %rsqrt3A {strides = array<i32>} : memref<10000x1xf32, #tpu.memory_space<vmem>>, vector<10000x1xf32>,
    %get3A_7 = arith.constant 0 : index
    %get3A_8 = arith.constant 0 : index
    %get3A_9 = vector.load %arg1[%get3A_7, %get3A_8] : memref<10000x128xf32, #tpu.memory_space<vmem>>, vector<10000x128xf32>
    %get3A_10 = arith.constant 0 : index
    %get3A_11 = arith.constant 0 : index
    %get3A_12 = vector.load %arg2[%get3A_10, %get3A_11] : memref<128x128xf32, #tpu.memory_space<vmem>>, vector<128x128xf32>
    %dot_general3A = arith.constant dense<0.000000e+00> : vector<10000x128xf32>
    %dot_general3A_13 = tpu.matmul %get3A_9, %get3A_12, %dot_general3A {dimension_numbers = #tpu.dot_dimension_numbers<[1], [0], [0], [1], [0, 0, 1, 1], [], []>, transpose_lhs_hint = false} : vector<10000x128xf32>, vector<128x128xf32>, vector<10000x128xf32> -> vector<10000x128xf32>
    %mul3A = vector.broadcast %rsqrt3A : vector<10000x1xf32> to vector<10000x128xf32>
    %mul3A_14 = arith.mulf %dot_general3A_13, %mul3A : vector<10000x128xf32>
    %swap3A_15 = arith.constant 0 : index
    %swap3A_16 = arith.constant 0 : index
    %swap3A_17 = vector.load %arg4[%swap3A_15, %swap3A_16] : memref<10000x128xf32, #tpu.memory_space<vmem>>, vector<10000x128xf32>
    tpu.vector_store %arg4[%swap3A_15, %swap3A_16], %mul3A_14 {strides = array<i32>} : memref<10000x128xf32, #tpu.memory_space<vmem>>, vector<10000x128xf32>,
    return
  }
}

module attributes {stable_mosaic.version = 14 : i64} {
  func.func @_tc_dense2(%arg0: memref<2x10240x128xf32, #tpu.memory_space<vmem>>, %arg1: memref<10000x128xf32, #tpu.memory_space<vmem>>, %arg2: memref<10000x1xf32, #tpu.memory_space<vmem>>, %arg3: memref<1x128xf32, #tpu.memory_space<vmem>>, %arg4: memref<128x128xf32, #tpu.memory_space<vmem>>, %arg5: memref<10000x128xf32, #tpu.memory_space<vmem>>) attributes {dimension_semantics = [], scalar_prefetch = 0 : i64, scratch_operands = 0 : i64, tpu.core_type = #tpu.core_type<tc>} {
    %get3A = arith.constant 0 : index
    %get3A_0 = arith.constant 0 : index
    %get3A_1 = arith.constant 0 : index
    %get3A_2 = vector.load %arg0[%get3A, %get3A_0, %get3A_1] : memref<2x10240x128xf32, #tpu.memory_space<vmem>>, vector<2x10240x128xf32>
    %slice3A = vector.extract_strided_slice %get3A_2 {offsets = [0, 0, 0], sizes = [1, 10000, 128], strides = [1, 1, 1]} : vector<2x10240x128xf32> to vector<1x10000x128xf32>
    %squeeze3A = vector.shape_cast %slice3A : vector<1x10000x128xf32> to vector<10000x128xf32>
    %slice3A_3 = vector.extract_strided_slice %get3A_2 {offsets = [1, 0, 0], sizes = [1, 10000, 128], strides = [1, 1, 1]} : vector<2x10240x128xf32> to vector<1x10000x128xf32>
    %squeeze3A_4 = vector.shape_cast %slice3A_3 : vector<1x10000x128xf32> to vector<10000x128xf32>
    %add3A = arith.addf %squeeze3A, %squeeze3A_4 : vector<10000x128xf32>
    %get3A_5 = arith.constant 0 : index
    %get3A_6 = arith.constant 0 : index
    %get3A_7 = vector.load %arg1[%get3A_5, %get3A_6] : memref<10000x128xf32, #tpu.memory_space<vmem>>, vector<10000x128xf32>
    %add3A_8 = arith.addf %add3A, %get3A_7 : vector<10000x128xf32>
    %get3A_9 = arith.constant 0 : index
    %get3A_10 = arith.constant 0 : index
    %get3A_11 = vector.load %arg2[%get3A_9, %get3A_10] : memref<10000x1xf32, #tpu.memory_space<vmem>>, vector<10000x1xf32>
    %mul3A = vector.broadcast %get3A_11 : vector<10000x1xf32> to vector<10000x128xf32>
    %mul3A_12 = arith.mulf %mul3A, %add3A_8 : vector<10000x128xf32>
    %get3A_13 = arith.constant 0 : index
    %get3A_14 = arith.constant 0 : index
    %get3A_15 = vector.load %arg3[%get3A_13, %get3A_14] : memref<1x128xf32, #tpu.memory_space<vmem>>, vector<1x128xf32>
    %add3A_16 = vector.broadcast %get3A_15 : vector<1x128xf32> to vector<10000x128xf32>
    %add3A_17 = arith.addf %mul3A_12, %add3A_16 : vector<10000x128xf32>
    %max3A = arith.constant 0.000000e+00 : f32
    %max3A_18 = vector.broadcast %max3A : f32 to vector<10000x128xf32>
    %max3A_19 = arith.maximumf %add3A_17, %max3A_18 : vector<10000x128xf32>
    %get3A_20 = arith.constant 0 : index
    %get3A_21 = arith.constant 0 : index
    %get3A_22 = vector.load %arg4[%get3A_20, %get3A_21] : memref<128x128xf32, #tpu.memory_space<vmem>>, vector<128x128xf32>
    %dot_general3A = arith.constant dense<0.000000e+00> : vector<10000x128xf32>
    %dot_general3A_23 = tpu.matmul %max3A_19, %get3A_22, %dot_general3A {dimension_numbers = #tpu.dot_dimension_numbers<[1], [0], [0], [1], [0, 0, 1, 1], [], []>, transpose_lhs_hint = false} : vector<10000x128xf32>, vector<128x128xf32>, vector<10000x128xf32> -> vector<10000x128xf32>
    %get3A_24 = arith.constant 0 : index
    %get3A_25 = arith.constant 0 : index
    %get3A_26 = vector.load %arg2[%get3A_24, %get3A_25] : memref<10000x1xf32, #tpu.memory_space<vmem>>, vector<10000x1xf32>
    %mul3A_27 = vector.broadcast %get3A_26 : vector<10000x1xf32> to vector<10000x128xf32>
    %mul3A_28 = arith.mulf %dot_general3A_23, %mul3A_27 : vector<10000x128xf32>
    %swap3A = arith.constant 0 : index
    %swap3A_29 = arith.constant 0 : index
    %swap3A_30 = vector.load %arg5[%swap3A, %swap3A_29] : memref<10000x128xf32, #tpu.memory_space<vmem>>, vector<10000x128xf32>
    tpu.vector_store %arg5[%swap3A, %swap3A_29], %mul3A_28 {strides = array<i32>} : memref<10000x128xf32, #tpu.memory_space<vmem>>, vector<10000x128xf32>,
    return
  }
}

module attributes {stable_mosaic.version = 14 : i64} {
  func.func @_tc_dense3(%arg0: memref<2x10240x128xf32, #tpu.memory_space<vmem>>, %arg1: memref<10000x128xf32, #tpu.memory_space<vmem>>, %arg2: memref<10000x1xf32, #tpu.memory_space<vmem>>, %arg3: memref<1x128xf32, #tpu.memory_space<vmem>>, %arg4: memref<10000x1xi32, #tpu.memory_space<vmem>>, %arg5: memref<128x128xf32, #tpu.memory_space<vmem>>, %arg6: memref<1x128xf32, #tpu.memory_space<vmem>>, %arg7: memref<64x128xf32, #tpu.memory_space<vmem>>, %arg8: memref<64x128xf32, #tpu.memory_space<vmem>>) attributes {dimension_semantics = [], scalar_prefetch = 0 : i64, scratch_operands = 0 : i64, tpu.core_type = #tpu.core_type<tc>} {
    %get3A = arith.constant 0 : index
    %get3A_0 = arith.constant 0 : index
    %get3A_1 = arith.constant 0 : index
    %get3A_2 = vector.load %arg0[%get3A, %get3A_0, %get3A_1] : memref<2x10240x128xf32, #tpu.memory_space<vmem>>, vector<2x10240x128xf32>
    %slice3A = vector.extract_strided_slice %get3A_2 {offsets = [0, 0, 0], sizes = [1, 10000, 128], strides = [1, 1, 1]} : vector<2x10240x128xf32> to vector<1x10000x128xf32>
    %squeeze3A = vector.shape_cast %slice3A : vector<1x10000x128xf32> to vector<10000x128xf32>
    %slice3A_3 = vector.extract_strided_slice %get3A_2 {offsets = [1, 0, 0], sizes = [1, 10000, 128], strides = [1, 1, 1]} : vector<2x10240x128xf32> to vector<1x10000x128xf32>
    %squeeze3A_4 = vector.shape_cast %slice3A_3 : vector<1x10000x128xf32> to vector<10000x128xf32>
    %add3A = arith.addf %squeeze3A, %squeeze3A_4 : vector<10000x128xf32>
    %get3A_5 = arith.constant 0 : index
    %get3A_6 = arith.constant 0 : index
    %get3A_7 = vector.load %arg1[%get3A_5, %get3A_6] : memref<10000x128xf32, #tpu.memory_space<vmem>>, vector<10000x128xf32>
    %add3A_8 = arith.addf %add3A, %get3A_7 : vector<10000x128xf32>
    %get3A_9 = arith.constant 0 : index
    %get3A_10 = arith.constant 0 : index
    %get3A_11 = vector.load %arg2[%get3A_9, %get3A_10] : memref<10000x1xf32, #tpu.memory_space<vmem>>, vector<10000x1xf32>
    %mul3A = vector.broadcast %get3A_11 : vector<10000x1xf32> to vector<10000x128xf32>
    %mul3A_12 = arith.mulf %mul3A, %add3A_8 : vector<10000x128xf32>
    %get3A_13 = arith.constant 0 : index
    %get3A_14 = arith.constant 0 : index
    %get3A_15 = vector.load %arg3[%get3A_13, %get3A_14] : memref<1x128xf32, #tpu.memory_space<vmem>>, vector<1x128xf32>
    %add3A_16 = vector.broadcast %get3A_15 : vector<1x128xf32> to vector<10000x128xf32>
    %add3A_17 = arith.addf %mul3A_12, %add3A_16 : vector<10000x128xf32>
    %max3A = arith.constant 0.000000e+00 : f32
    %max3A_18 = vector.broadcast %max3A : f32 to vector<10000x128xf32>
    %max3A_19 = arith.maximumf %add3A_17, %max3A_18 : vector<10000x128xf32>
    %iota3A = tpu.iota {dimensions = array<i32: 1>} : vector<10000x64xi32>
    %get3A_20 = arith.constant 0 : index
    %get3A_21 = arith.constant 0 : index
    %get3A_22 = vector.load %arg4[%get3A_20, %get3A_21] : memref<10000x1xi32, #tpu.memory_space<vmem>>, vector<10000x1xi32>
    %eq3A = vector.broadcast %get3A_22 : vector<10000x1xi32> to vector<10000x64xi32>
    %eq3A_23 = arith.cmpi eq, %eq3A, %iota3A : vector<10000x64xi32>
    %jit3A = arith.constant 1.000000e+00 : f32
    %jit3A_24 = arith.constant 0.000000e+00 : f32
    %broadcast_in_dim3A = vector.broadcast %jit3A : f32 to vector<10000x64xf32>
    %broadcast_in_dim3A_25 = vector.broadcast %jit3A_24 : f32 to vector<10000x64xf32>
    %select_n3A = arith.select %eq3A_23, %broadcast_in_dim3A, %broadcast_in_dim3A_25 : vector<10000x64xi1>, vector<10000x64xf32>
    %dot_general3A = arith.constant dense<0.000000e+00> : vector<64x128xf32>
    %dot_general3A_26 = tpu.matmul %select_n3A, %max3A_19, %dot_general3A {dimension_numbers = #tpu.dot_dimension_numbers<[0], [0], [1], [1], [0, 1, 1, 1], [], []>, transpose_lhs_hint = false} : vector<10000x64xf32>, vector<10000x128xf32>, vector<64x128xf32> -> vector<64x128xf32>
    %broadcast_in_dim3A_27 = arith.constant 1.000000e+00 : f32
    %broadcast_in_dim3A_28 = vector.broadcast %broadcast_in_dim3A_27 : f32 to vector<10000x1xf32>
    %dot_general3A_29 = arith.constant dense<0.000000e+00> : vector<64x1xf32>
    %dot_general3A_30 = tpu.matmul %select_n3A, %broadcast_in_dim3A_28, %dot_general3A_29 {dimension_numbers = #tpu.dot_dimension_numbers<[0], [0], [1], [1], [0, 1, 1, 1], [], []>, transpose_lhs_hint = false} : vector<10000x64xf32>, vector<10000x1xf32>, vector<64x1xf32> -> vector<64x1xf32>
    %max3A_31 = arith.constant 1.000000e+00 : f32
    %max3A_32 = vector.broadcast %max3A_31 : f32 to vector<64x1xf32>
    %max3A_33 = arith.maximumf %dot_general3A_30, %max3A_32 : vector<64x1xf32>
    %div3A = vector.broadcast %max3A_33 : vector<64x1xf32> to vector<64x128xf32>
    %div3A_34 = arith.divf %dot_general3A_26, %div3A : vector<64x128xf32>
    %swap3A = arith.constant 0 : index
    %swap3A_35 = arith.constant 0 : index
    %swap3A_36 = vector.load %arg8[%swap3A, %swap3A_35] : memref<64x128xf32, #tpu.memory_space<vmem>>, vector<64x128xf32>
    tpu.vector_store %arg8[%swap3A, %swap3A_35], %div3A_34 {strides = array<i32>} : memref<64x128xf32, #tpu.memory_space<vmem>>, vector<64x128xf32>,
    %get3A_37 = arith.constant 0 : index
    %get3A_38 = arith.constant 0 : index
    %get3A_39 = vector.load %arg5[%get3A_37, %get3A_38] : memref<128x128xf32, #tpu.memory_space<vmem>>, vector<128x128xf32>
    %dot_general3A_40 = arith.constant dense<0.000000e+00> : vector<64x128xf32>
    %dot_general3A_41 = tpu.matmul %div3A_34, %get3A_39, %dot_general3A_40 {dimension_numbers = #tpu.dot_dimension_numbers<[1], [0], [0], [1], [0, 0, 1, 1], [], []>, transpose_lhs_hint = false} : vector<64x128xf32>, vector<128x128xf32>, vector<64x128xf32> -> vector<64x128xf32>
    %get3A_42 = arith.constant 0 : index
    %get3A_43 = arith.constant 0 : index
    %get3A_44 = vector.load %arg6[%get3A_42, %get3A_43] : memref<1x128xf32, #tpu.memory_space<vmem>>, vector<1x128xf32>
    %add3A_45 = vector.broadcast %get3A_44 : vector<1x128xf32> to vector<64x128xf32>
    %add3A_46 = arith.addf %dot_general3A_41, %add3A_45 : vector<64x128xf32>
    %swap3A_47 = arith.constant 0 : index
    %swap3A_48 = arith.constant 0 : index
    %swap3A_49 = vector.load %arg7[%swap3A_47, %swap3A_48] : memref<64x128xf32, #tpu.memory_space<vmem>>, vector<64x128xf32>
    tpu.vector_store %arg7[%swap3A_47, %swap3A_48], %add3A_46 {strides = array<i32>} : memref<64x128xf32, #tpu.memory_space<vmem>>, vector<64x128xf32>,
    return
  }
}

</mosaic_0001>

<sc_bundles>
// kernel: kernel.11.cloned.1.call-start
scs
__scs_entry_jumppad:
0x0: {  	(pc) =	sbr.rel $0x88, $3  }
0x1: {  	(tag) =	ssettag $0x0;
	lr =	simm.s32 $0x1  }
0x2: {  	[smem:$0x3F98] =	sst lr;
	_ =	strace $0xD0000000  }
0x3: {  	_ = 	snop  }
0x4: {  	_ = 	snop  }
0x5: {  	_ = 	snop  }
0x6: {  	_ = 	snop  }
0x7: {  	_ = 	snop  }
__scs_overlays_trampoline_lowered:
0x8: {  	[smem:$0x3FA7] =	sst s0  }
0x9: {  	[smem:$0x3FA8] =	sst s1  }
0xa: {  	[smem:$0x3FA9] =	sst s2  }
0xb: {  	[smem:$0x3FAA] =	sst s3  }
0xc: {  	[smem:$0x3FAB] =	sst s4  }
0xd: {  	[smem:$0x3FAC] =	sst s5  }
0xe: {  	[smem:$0x3FAD] =	sst s6  }
0xf: {  	[smem:$0x3FAE] =	sst s7  }
0x10: {  	[smem:$0x3FAF] =	sst s8  }
0x11: {  	[smem:$0x3FB0] =	sst s9;
	s0 =	simm.s32 @!p0 $0x0  }
0x12: {  	s1 =	sld [smem:$0x3F96];
	s0 =	simm.s32 @p0 $0x1  }
0x13: {  	[smem:$0x3FB1] =	sst s0;
	s0 =	simm.s32 @!p1 $0x0  }
0x14: {  	s2 =	sld [smem:$0x3F95];
	s0 =	simm.s32 @p1 $0x1  }
0x15: {  	[smem:$0x3FB2] =	sst s0;
	s0 =	simm.s32 @!p2 $0x0  }
0x16: {  	s3 =	sld [smem:$0x3FDB];
	s0 =	simm.s32 @p2 $0x1  }
0x17: {  	s4 =	simm.s32 $0x1BF5;
	[smem:$0x3FB4] =	sst s0  }
0x18: {  	s0 =	sld [smem:$0x3F97];
	_ =	swait.ge [sflag:s4], $0x0  }
0x19: {  	s7 =	sld [smem:$0x3F98]  }
0x1a: {  	s8 =	sadd.s32 $0xFFFFE003, lr  }
0x1b: {  	s9 =	sadd.s32 $0xFFFFFEF7, lr;
	s5 =	simm.s32 $0xFFFFFFFF;
	p2 =	slt.u32 s8, $0xFFFFF086  }
0x1c: {  	p1 =	slt.u32 s9, $0xF7A;
	s5 =	simm.s32 @!p2 $0x0  }
0x1d: {  	s5 =	simm.s32 @p1 $0x1;
	p0 =	seq.s32 s7, s2  }
0x1e: {  	s7 =	smul.u32 @!p0 $0xF7A, s2;
	p2 =	seq.s32 @!p0 s5, $0x0  }
0x1f: {  	s9 =	smul.u32 $0xF7A, s1;
	s8 =	simm.s32 @!p0 $0x1BF5;
	p2 =	por !p2, p0  }
0x20: {  	[sflag:s8] =	ssyncset.s32 @!p0 $0xFFFFF086;
	s6 =	sadd.s32 @!p0 s3, s7;
	s7 =	simm.s32 @!p0 $0x108  }
0x21: {  	s3 =	sadd.s32 s3, s9;
	s6 =	sadd.s32 @!p0 $0x88, s6;
	s7 =	simm.s32 @p2 $0x1082  }
0x22: {  	[simem:s7], [sflag:s8] =	dma.local @!p0 [hbm:s6], $0xF7A  }
0x23: {  	s9 =	sor.u32 $0xD0000000, s2;
	s6 =	simm.s32 $0x108;
	_ =	swait.ge @!p0 [sflag:s8], $0x0  }
0x24: {  	s3 =	sadd.s32 $0x88, s3;
	s6 =	simm.s32 @!p1 $0x1082;
	[sflag:s4] =	ssyncset.s32 $0xFFFFF086  }
0x25: {  	[simem:s6], [sflag:s4] =	dma.local [hbm:s3], $0xF7A  }
0x26: {  	[smem:$0x3F98] =	sst s1;
	(tag) =	ssettag s2;
	_ =	strace s9  }
0x27: {  	s1 =	sld [smem:$0x3FA8]  }
0x28: {  	s2 =	sld [smem:$0x3FA9]  }
0x29: {  	s4 =	sld [smem:$0x3FAB]  }
0x2a: {  	p0 =	seq.s32 s5, $0x0;
	s5 =	sld [smem:$0x3FAC]  }
0x2b: {  	s6 =	sld [smem:$0x3FAD]  }
0x2c: {  	s7 =	sld [smem:$0x3FAE]  }
0x2d: {  	s3 =	simm.s32 $0x108;
	s8 =	sld [smem:$0x3FAF]  }
0x2e: {  	s3 =	simm.s32 @!p0 $0x1082;
	s9 =	sld [smem:$0x3FB0]  }
0x2f: {  	lr =	sadd.s32 s0, s3;
	s0 =	sld [smem:$0x3FA7]  }
0x30: {  	s3 =	sld [smem:$0x3FAA]  }
0x31: {  	[smem:$0x3FB3] =	sst s10  }
0x32: {  	s10 =	sld [smem:$0x3FB1];
	_ =	sdelay $0x3  }
0x33: {  	p0 =	seq.s32 s10, $0x1;
	s10 =	sld [smem:$0x3FB3];
	_ =	sdelay $0x3  }
0x34: {  	[smem:$0x3FB3] =	sst s10  }
0x35: {  	s10 =	sld [smem:$0x3FB2];
	_ =	sdelay $0x3  }
0x36: {  	p1 =	seq.s32 s10, $0x1;
	s10 =	sld [smem:$0x3FB3];
	_ =	sdelay $0x3  }
0x37: {  	[smem:$0x3FB3] =	sst s10  }
0x38: {  	s10 =	sld [smem:$0x3FB4]  }
0x39: {  	_ = 	snop;
	(pc) =	sbr.ind lr, $3  }
0x3a: {  	_ = 	snop  }
0x3b: {  	_ = 	snop  }
0x3c: {  	p2 =	seq.s32 s10, $0x1;
	s10 =	sld [smem:$0x3FB3]  }
0x3d: {  	_ =	shalt  }
0x3e: {  	_ =	shalt  }
0x3f: {  	_ =	shalt  }
0x40: {  	_ =	shalt  }
0x41: {  	_ =	shalt  }
0x42: {  	_ =	shalt  }
0x43: {  	_ =	shalt  }
0x44: {  	_ =	shalt  }
0x45: {  	_ =	shalt  }
0x46: {  	_ =	shalt  }
0x47: {  	_ =	shalt  }
0x48: {  	_ =	shalt  }
0x49: {  	_ =	shalt  }
0x4a: {  	_ =	shalt  }
0x4b: {  	_ =	shalt  }
0x4c: {  	_ =	shalt  }
0x4d: {  	_ =	shalt  }
0x4e: {  	_ =	shalt  }
0x4f: {  	_ =	shalt  }
0x50: {  	_ =	shalt  }
0x51: {  	_ =	shalt  }
0x52: {  	_ =	shalt  }
0x53: {  	_ =	shalt  }
0x54: {  	_ =	shalt  }
0x55: {  	_ =	shalt  }
0x56: {  	_ =	shalt  }
0x57: {  	_ =	shalt  }
0x58: {  	_ =	shalt  }
0x59: {  	_ =	shalt  }
0x5a: {  	_ =	shalt  }
0x5b: {  	_ =	shalt  }
0x5c: {  	_ =	shalt  }
0x5d: {  	_ =	shalt  }
0x5e: {  	_ =	shalt  }
0x5f: {  	_ =	shalt  }
0x60: {  	_ =	shalt  }
0x61: {  	_ =	shalt  }
0x62: {  	_ =	shalt  }
0x63: {  	_ =	shalt  }
0x64: {  	_ =	shalt  }
0x65: {  	_ =	shalt  }
0x66: {  	_ =	shalt  }
0x67: {  	_ =	shalt  }
0x68: {  	_ =	shalt  }
0x69: {  	_ =	shalt  }
0x6a: {  	_ =	shalt  }
0x6b: {  	_ =	shalt  }
0x6c: {  	_ =	shalt  }
0x6d: {  	_ =	shalt  }
0x6e: {  	_ =	shalt  }
0x6f: {  	_ =	shalt  }
0x70: {  	_ =	shalt  }
0x71: {  	_ =	shalt  }
0x72: {  	_ =	shalt  }
0x73: {  	_ =	shalt  }
0x74: {  	_ =	shalt  }
0x75: {  	_ =	shalt  }
0x76: {  	_ =	shalt  }
0x77: {  	_ =	shalt  }
0x78: {  	_ =	shalt  }
0x79: {  	_ =	shalt  }
0x7a: {  	_ =	shalt  }
0x7b: {  	_ =	shalt  }
0x7c: {  	_ =	shalt  }
0x7d: {  	_ =	shalt  }
0x7e: {  	_ =	shalt  }
0x7f: {  	_ =	shalt  }
0x80: {  	_ =	shalt  }
0x81: {  	_ =	shalt  }
0x82: {  	_ =	shalt  }
0x83: {  	_ =	shalt  }
0x84: {  	_ =	shalt  }
0x85: {  	_ =	shalt  }
0x86: {  	_ =	shalt  }
0x87: {  	_ =	shalt  }
.Lfunc_end0:
.L_simem_size_0:
called_computation.1_lowered:
.L_overlay_start_0:
0x88: {  	s2 =	sld [smem:$0x3FD9]  }
0x89: {  	s3 =	sld [smem:$0x3FFE];
	_ =	sdelay $0x1  }
0x8a: {  	s1 =	srdreg.scid  }
0x8b: {  	s0 =	sand.u32 $0x1, s1  }
0x8c: {  	s16 =	sshll.u32 s0, $0xA;
	s2 =	sadd.s32 s3, s2  }
0x8d: {  	s2 =	sadd.s32 s2, s16  }
0x8e: {  	[smem:$0x3FBF] =	sst s2  }
0x8f: {  	_ = 	snop  }
0x90: {  	(tm) =	ssettm $0x1  }
0x91: {  	s17 =	sld [smem:$0x3FFB];
	_ =	sdelay $0x3  }
0x92: {  	_ =	strace s17  }
0x93: {  	s2 =	sld [smem:$0x3FFC];
	_ =	sdelay $0x3  }
0x94: {  	_ =	strace s2  }
0x95: {  	s2 =	sld [smem:$0x3FFD];
	_ =	sdelay $0x3  }
0x96: {  	_ =	strace s2  }
0x97: {  	_ =	strace $0x8FFFFFFF  }
0x98: {  	s18 =	sld [smem:$0x3FDB];
	_ =	sdelay $0x1  }
0x99: {  	s19 =	simm.s32 $_scs_section_size  }
0x9a: {  	s4 =	simm.s32 $_size__tile_overlayer_lowered;
	s5 =	simm.s32 $_tile_overlayer_lowered  }
0x9b: {  	s22 =	simm.s32 $0x1BFF;
	s21 =	sshll.u32 s5, $0x1;
	s2 =	sadd.s32 s19, s18  }
0x9c: {  	s6 =	simm.s32 $0x0;
	s20 =	sshll.u32 s4, $0x1;
	s4 =	sadd.s32 s21, s2  }
0x9d: {  	[timem:s6], [sflag:s22] =	dma.local [hbm:s4], s20  }
0x9e: {  	_ =	swait.ge [sflag:s22], s20  }
0x9f: {  	s3 =	ssub.s32 $0x0, s20;
	[sflag:s22] =	ssyncset.done $0x0  }
0xa0: {  	[sflag:s22] =	ssyncadd.s32 s3;
	_ =	sdelay $0x1  }
0xa1: {  	s23 =	simm.s32 $0x1B8B  }
0xa2: {  	_ =	swait.ge [sflag:s23], $0x1  }
0xa3: {  	[sflag:s23] =	ssyncset.done $0x0  }
0xa4: {  	s25 =	simm.s32 $0x1B8E;
	s24 =	sld [smem:$0x3FFE];
	[sflag:s23] =	ssyncadd.s32 $0xFFFFFFFF  }
0xa5: {  	s26 =	simm.s32 $execute0_lowered;
	[smem:$0x3FD2] =	sst s25  }
0xa6: {  	s4 =	sshll.u32 s26, $0x1;
	_ =	strace $0x80000049;
	[dreg:$0x1] =	wrdreg $0xFFFFFFFF  }
0xa7: {  	s28 =	simm.s32 $_size_execute0_lowered;
	s2 =	sadd.s32 s2, s4;
	[dreg:$0x0] =	wrdreg $0x0  }
0xa8: {  	s4 =	sshll.u32 s28, $0x1;
	[dreg:$0x2] =	wrdreg s2  }
0xa9: {  	[dreg:$0x3] =	wrdreg s4  }
0xaa: {  	[dreg:$0x4] =	wrdreg $0xC0  }
0xab: {  	_ =	task [dreg:s6], $0x5FFFF  }
0xac: {  	[dreg:$0x1] =	wrdreg $0xFFFFFFFF  }
0xad: {  	[dreg:$0x0] =	wrdreg $0x60  }
0xae: {  	[dreg:$0x2] =	wrdreg s24  }
0xaf: {  	[dreg:$0x3] =	wrdreg $0xA0000  }
0xb0: {  	[dreg:$0x4] =	wrdreg $0x9  }
0xb1: {  	_ =	task.clear_ibuf [dreg:s6], $0x5FFFF;
	_ =	strace $0x90000049  }
0xb2: {  	s29 =	simm.s32 $0x9;
	_ =	strace $0x8000004B  }
0xb3: {  	_ =	swait.ge [sflag:s29], $0x1  }
0xb4: {  	[sflag:s29] =	ssyncadd.s32 $0xFFFFFFFF  }
0xb5: {  	_ =	strace $0x9000004B  }
0xb6: {  	_ =	sfence  }
0xb7: {  	s30 =	sld [smem:$0x0];
	_ =	sdelay $0x2  }
0xb8: {  	s31 =	sshll.u32 s1, $0xD;
	s1 =	sshrl.u32 s1, $0x2  }
0xb9: {  	s3 =	sand.u32 $0x4000, s31;
	s1 =	sadd.s32 s1, s30  }
0xba: {  	s0 =	sor.u32 s3, s0;
	s1 =	sshll.u32 s1, $0x11  }
0xbb: {  	s0 =	sor.u32 s1, s0  }
0xbc: {  	s0 =	sadd.s32 $0x8F2B, s0  }
0xbd: {  	[sflag:s0] =	ssyncadd.remote.s32 $0x1  }
0xbe: {  	_ =	sfence.sel $0xFFFF  }
0xbf: {  	[dreg:$0x0] =	wrdreg $0xFFFFFFFF;
	(pc) =	sbr.abs _section_cstart, $3  }
0xc0: {  	[dreg:$0x1] =	wrdreg $0xFFFFFFFF  }
0xc1: {  	_ =	task.clear_ibuf [dreg:s6], $0x2FFFF;
	_ =	strace $0x9FFFFFFF  }
0xc2: {  	(tm) =	ssettm $0x7FFFFFFF  }
0xc3: {  	_ =	shalt  }
tec
execute0_lowered:
.L_overlay_start_1:
0x0: {  	(tag) =	ssettag $0x1  }
0x1: {  	s6 =	rddreg [dreg:$0x0]  }
0x2: {  	s2 =	rddreg [dreg:$0x1]  }
0x3: {  	s1 =	srdreg.scid;
	s0 =	rddreg [dreg:$0x2]  }
0x4: {  	s3 =	simm.s32 $0x0;
	s15 =	simm.s32 $0x6000;
	s8 =	sand.u32 $0x1, s1  }
0x5: {  	s16 =	simm.s32 $0x0;
	s1 =	stileid.u32;
	s5 =	smul.u32 $0x140000, s8  }
0x6: {  	[smem:$0x7FF] =	sst s3;
	s4 =	sshll.u32 s8, $0x4;
	s7 =	smul.u32 $0x14000, s1  }
0x7: {  	_ =	strace $0x8000004A;
	s10 =	smul.u32 $0x50000, s1;
	s30 =	ssub.s32 $0x2, s8  }
0x8: {  	s12 =	sshll.u32 s1, $0x6;
	p0 =	seq.s32 s8, $0x0;
	s8 =	simm.s32 $0x59  }
0x9: {  	s4 =	sor.u32 s1, s4;
	s31 =	sshrl.u32 s30, $0x1;
	s8 =	simm.s32 @!p0 $0x44  }
0xa: {  	s9 =	smul.u32 $0x600, s4;
	s4 =	sadd.s32 $0x2FC00, s6;
	s5 =	sadd.s32 s7, s5  }
0xb: {  	s10 =	sshrl.u32 s10, $0x2;
	s13 =	ssub.s32 s30, s31;
	s7 =	sshrl.u32 s5, $0x3  }
0xc: {  	s5 =	sadd.s32 $0x2400, s6;
	s14 =	sadd.s32 s10, s2;
	s9 =	sadd.s32 s9, s6  }
0xd: {  	s11 =	sadd.s32 s7, s6;
	s6 =	sor.u32 $0x1C01, s12;
	s12 =	sshrl.u32 s14, $0x3  }
0xe: {  	s14 =	simm.s32 $0x80;
	s7 =	sadd.s32 $0x23C00, s9;
	s9 =	sadd.s32 $0x17C00, s9  }
0xf: {  	s10 =	sadd.s32 $0x56E00, s11;
	s11 =	smax.u32 s13, $0x1;
	s13 =	simm.s32 $0x1  }
.LBB2_1:
0x10: {  	[spmem:s12], [sflag:s6] =	dma.local [hbm:s5], $0x2800  }
0x11: {  	_ =	swait.ge [sflag:s13], $0x2800  }
0x12: {  	[sflag:s13] =	ssyncset.done $0x0  }
0x13: {  	[sflag:s13] =	ssyncadd.s32 $0xFFFFD800  }
0x14: {  	[tilespmem:s3], [sflag:$0x1] =	stream.linear.gather [hbm4b:s7+s3], $0x2C80, $0x38;
	[tilespmem:$0x1E000] =	vst v63  }
0x15: {  	_ =	swait.ge [sflag:s13], $0x2C80  }
0x16: {  	[sflag:s13] =	ssyncset.done $0x0  }
0x17: {  	s17 =	simm.s32 $0x3000;
	[sflag:s13] =	ssyncadd.s32 $0xFFFFD380  }
0x18: {  	[tilespmem:s17], [sflag:$0x1] =	stream.linear.gather [hbm4b:s9+s3], $0x2C80, $0x38;
	[tilespmem:$0x1E000] =	vst v63  }
0x19: {  	_ =	swait.ge [sflag:s13], $0x2C80  }
0x1a: {  	[sflag:s13] =	ssyncset.done $0x0  }
0x1b: {  	[sflag:s13] =	ssyncadd.s32 $0xFFFFD380  }
0x1c: {  	[bflag:$0x0] =	sbarrier.arrive $0xFFFF  }
0x1d: {  	[tilespmem:s15], [sflag:$0x1] =	stream.indirect.gather [hbm4b:s4+s14], $0x80, s3, s14, $0xb8;
	[tilespmem:$0x1E000] =	vst v63  }
0x1e: {  	p0 =	sne.s32 s8, $0x1;
	_ =	swait.ge [sflag:s13], $0x4000  }
.Ltmp0:
0x1f: {  	[sflag:s13] =	ssyncset.done $0x0;
	(pc) =	sbr.rel @!p0 .LBB2_3-.Ltmp0, $4  }
0x20: {  	[sflag:s13] =	ssyncadd.s32 $0xFFFFC000  }
0x21: {  	[spmem:s2] =	stream.indirect.scatter.add.f32 [tilespmem:s15], [sflag:$0x1], $0x80, s17, s14, $0xb8;
	[tilespmem:$0x1E000] =	vst v63  }
0x22: {  	_ =	swait.ge [sflag:s13], $0x4000  }
0x23: {  	s18 =	sadd.s32 $0xFFFFFFFF, s8;
	s19 =	simm.s32 $0x0;
	[sflag:s13] =	ssyncset.done $0x0  }
.LBB2_2:
0x24: {  	[sflag:s13] =	ssyncadd.s32 $0xFFFFC000;
	s19 =	sadd.s32 $0x80, s19;
	s17 =	sadd.s32 $0x80, s17  }
0x25: {  	[tilespmem:s15], [sflag:$0x1] =	stream.indirect.gather [hbm4b:s4+s14], $0x80, s19, s14, $0xb8;
	[tilespmem:$0x1E000] =	vst v63  }
0x26: {  	p0 =	sne.s32 s18, $0x1;
	s18 =	sadd.s32 $0xFFFFFFFF, s18;
	_ =	swait.ge [sflag:s13], $0x4000  }
.Ltmp1:
0x27: {  	[sflag:s13] =	ssyncset.done $0x0;
	(pc) =	sbr.rel @p0 .LBB2_2-.Ltmp1, $4  }
0x28: {  	[sflag:s13] =	ssyncadd.s32 $0xFFFFC000  }
0x29: {  	[spmem:s2] =	stream.indirect.scatter.add.f32 [tilespmem:s15], [sflag:$0x1], $0x80, s17, s14, $0xb8;
	[tilespmem:$0x1E000] =	vst v63  }
0x2a: {  	_ =	swait.ge [sflag:s13], $0x4000  }
0x2b: {  	[sflag:s13] =	ssyncset.done $0x0  }
.LBB2_3:
0x2c: {  	s16 =	sadd.s32 $0x1, s16  }
0x2d: {  	[sflag:s13] =	ssyncadd.s32 $0xFFFFC000;
	p0 =	sne.s32 s16, s11  }
.Ltmp2:
0x2e: {  	[bflag:$0x0] =	sbarrier.arrive $0xFFFF;
	(pc) =	sbr.rel @p0 .LBB2_1-.Ltmp2, $4  }
0x2f: {  	[hbm:s10], [sflag:s6] =	dma.local [spmem:s12], $0x2800  }
0x30: {  	_ =	swait.ge [sflag:s13], $0x2800  }
0x31: {  	[sflag:s13] =	ssyncset.done $0x0  }
0x32: {  	[sflag:s13] =	ssyncadd.s32 $0xFFFFD800  }
0x33: {  	_ =	sfence.sel $0x180000  }
0x34: {  	[bflag:$0x0] =	sbarrier.arrive $0xFFFF  }
0x35: {  	p0 =	sne.s32 s1, $0x0;
	_ =	strace $0x9000004A  }
0x36: {  	s0 =	sadd.s32 @!p0 $0x100000, s0;
	[bflag:$0x2] =	sbarrier.arrive $0xFFFF  }
0x37: {  	[sflag:s0] =	ssyncadd.tile.s32 @!p0 $0x1;
	_ =	shalt  }
.Lfunc_end2:
_tile_overlayer_lowered:
.L_overlay_start_2:
0x38: {  	(tag) =	ssettag $0x2  }
0x39: {  	s0 =	rddreg [dreg:$0x0];
	s2 =	stileid.u32  }
0x3a: {  	s1 =	rddreg [dreg:$0x1];
	p0 =	sne.s32 s2, $0x0  }
0x3b: {  	s3 =	rddreg [dreg:$0x2];
	[bflag:$0x3] =	sbarrier.arrive $0xFFFF;
	s2 =	simm.s32 @!p0 $0x1C01  }
0x3c: {  	[timem:s3], [sflag:s2] =	dma.local @!p0 [hbm:s0], s1  }
0x3d: {  	s0 =	simm.s32 @!p0 $0x1  }
0x3e: {  	_ =	swait.ge @!p0 [sflag:s0], s1  }
0x3f: {  	s1 =	ssub.s32 @!p0 $0x0, s1;
	[sflag:s0] =	ssyncset.done @!p0 $0x0  }
0x40: {  	[sflag:s0] =	ssyncadd.s32 @!p0 s1  }
0x41: {  	[bflag:$0x3] =	sbarrier.arrive $0xFFFF  }
0x42: {  	_ =	shalt  }

// kernel: kernel.14.cloned.1.call-start
scs
__scs_entry_jumppad:
0x0: {  	(pc) =	sbr.rel $0x88, $3  }
0x1: {  	(tag) =	ssettag $0x0;
	lr =	simm.s32 $0x1  }
0x2: {  	[smem:$0x3F98] =	sst lr;
	_ =	strace $0xD0000000  }
0x3: {  	_ = 	snop  }
0x4: {  	_ = 	snop  }
0x5: {  	_ = 	snop  }
0x6: {  	_ = 	snop  }
0x7: {  	_ = 	snop  }
__scs_overlays_trampoline_lowered:
0x8: {  	[smem:$0x3FA7] =	sst s0  }
0x9: {  	[smem:$0x3FA8] =	sst s1  }
0xa: {  	[smem:$0x3FA9] =	sst s2  }
0xb: {  	[smem:$0x3FAA] =	sst s3  }
0xc: {  	[smem:$0x3FAB] =	sst s4  }
0xd: {  	[smem:$0x3FAC] =	sst s5  }
0xe: {  	[smem:$0x3FAD] =	sst s6  }
0xf: {  	[smem:$0x3FAE] =	sst s7  }
0x10: {  	[smem:$0x3FAF] =	sst s8  }
0x11: {  	[smem:$0x3FB0] =	sst s9;
	s0 =	simm.s32 @!p0 $0x0  }
0x12: {  	s1 =	sld [smem:$0x3F96];
	s0 =	simm.s32 @p0 $0x1  }
0x13: {  	[smem:$0x3FB1] =	sst s0;
	s0 =	simm.s32 @!p1 $0x0  }
0x14: {  	s2 =	sld [smem:$0x3F95];
	s0 =	simm.s32 @p1 $0x1  }
0x15: {  	[smem:$0x3FB2] =	sst s0;
	s0 =	simm.s32 @!p2 $0x0  }
0x16: {  	s3 =	sld [smem:$0x3FDB];
	s0 =	simm.s32 @p2 $0x1  }
0x17: {  	s4 =	simm.s32 $0x1BF5;
	[smem:$0x3FB4] =	sst s0  }
0x18: {  	s0 =	sld [smem:$0x3F97];
	_ =	swait.ge [sflag:s4], $0x0  }
0x19: {  	s7 =	sld [smem:$0x3F98]  }
0x1a: {  	s8 =	sadd.s32 $0xFFFFE003, lr  }
0x1b: {  	s9 =	sadd.s32 $0xFFFFFEF7, lr;
	s5 =	simm.s32 $0xFFFFFFFF;
	p2 =	slt.u32 s8, $0xFFFFF086  }
0x1c: {  	p1 =	slt.u32 s9, $0xF7A;
	s5 =	simm.s32 @!p2 $0x0  }
0x1d: {  	s5 =	simm.s32 @p1 $0x1;
	p0 =	seq.s32 s7, s2  }
0x1e: {  	s7 =	smul.u32 @!p0 $0xF7A, s2;
	p2 =	seq.s32 @!p0 s5, $0x0  }
0x1f: {  	s9 =	smul.u32 $0xF7A, s1;
	s8 =	simm.s32 @!p0 $0x1BF5;
	p2 =	por !p2, p0  }
0x20: {  	[sflag:s8] =	ssyncset.s32 @!p0 $0xFFFFF086;
	s6 =	sadd.s32 @!p0 s3, s7;
	s7 =	simm.s32 @!p0 $0x108  }
0x21: {  	s3 =	sadd.s32 s3, s9;
	s6 =	sadd.s32 @!p0 $0x88, s6;
	s7 =	simm.s32 @p2 $0x1082  }
0x22: {  	[simem:s7], [sflag:s8] =	dma.local @!p0 [hbm:s6], $0xF7A  }
0x23: {  	s9 =	sor.u32 $0xD0000000, s2;
	s6 =	simm.s32 $0x108;
	_ =	swait.ge @!p0 [sflag:s8], $0x0  }
0x24: {  	s3 =	sadd.s32 $0x88, s3;
	s6 =	simm.s32 @!p1 $0x1082;
	[sflag:s4] =	ssyncset.s32 $0xFFFFF086  }
0x25: {  	[simem:s6], [sflag:s4] =	dma.local [hbm:s3], $0xF7A  }
0x26: {  	[smem:$0x3F98] =	sst s1;
	(tag) =	ssettag s2;
	_ =	strace s9  }
0x27: {  	s1 =	sld [smem:$0x3FA8]  }
0x28: {  	s2 =	sld [smem:$0x3FA9]  }
0x29: {  	s4 =	sld [smem:$0x3FAB]  }
0x2a: {  	p0 =	seq.s32 s5, $0x0;
	s5 =	sld [smem:$0x3FAC]  }
0x2b: {  	s6 =	sld [smem:$0x3FAD]  }
0x2c: {  	s7 =	sld [smem:$0x3FAE]  }
0x2d: {  	s3 =	simm.s32 $0x108;
	s8 =	sld [smem:$0x3FAF]  }
0x2e: {  	s3 =	simm.s32 @!p0 $0x1082;
	s9 =	sld [smem:$0x3FB0]  }
0x2f: {  	lr =	sadd.s32 s0, s3;
	s0 =	sld [smem:$0x3FA7]  }
0x30: {  	s3 =	sld [smem:$0x3FAA]  }
0x31: {  	[smem:$0x3FB3] =	sst s10  }
0x32: {  	s10 =	sld [smem:$0x3FB1];
	_ =	sdelay $0x3  }
0x33: {  	p0 =	seq.s32 s10, $0x1;
	s10 =	sld [smem:$0x3FB3];
	_ =	sdelay $0x3  }
0x34: {  	[smem:$0x3FB3] =	sst s10  }
0x35: {  	s10 =	sld [smem:$0x3FB2];
	_ =	sdelay $0x3  }
0x36: {  	p1 =	seq.s32 s10, $0x1;
	s10 =	sld [smem:$0x3FB3];
	_ =	sdelay $0x3  }
0x37: {  	[smem:$0x3FB3] =	sst s10  }
0x38: {  	s10 =	sld [smem:$0x3FB4]  }
0x39: {  	_ = 	snop;
	(pc) =	sbr.ind lr, $3  }
0x3a: {  	_ = 	snop  }
0x3b: {  	_ = 	snop  }
0x3c: {  	p2 =	seq.s32 s10, $0x1;
	s10 =	sld [smem:$0x3FB3]  }
0x3d: {  	_ =	shalt  }
0x3e: {  	_ =	shalt  }
0x3f: {  	_ =	shalt  }
0x40: {  	_ =	shalt  }
0x41: {  	_ =	shalt  }
0x42: {  	_ =	shalt  }
0x43: {  	_ =	shalt  }
0x44: {  	_ =	shalt  }
0x45: {  	_ =	shalt  }
0x46: {  	_ =	shalt  }
0x47: {  	_ =	shalt  }
0x48: {  	_ =	shalt  }
0x49: {  	_ =	shalt  }
0x4a: {  	_ =	shalt  }
0x4b: {  	_ =	shalt  }
0x4c: {  	_ =	shalt  }
0x4d: {  	_ =	shalt  }
0x4e: {  	_ =	shalt  }
0x4f: {  	_ =	shalt  }
0x50: {  	_ =	shalt  }
0x51: {  	_ =	shalt  }
0x52: {  	_ =	shalt  }
0x53: {  	_ =	shalt  }
0x54: {  	_ =	shalt  }
0x55: {  	_ =	shalt  }
0x56: {  	_ =	shalt  }
0x57: {  	_ =	shalt  }
0x58: {  	_ =	shalt  }
0x59: {  	_ =	shalt  }
0x5a: {  	_ =	shalt  }
0x5b: {  	_ =	shalt  }
0x5c: {  	_ =	shalt  }
0x5d: {  	_ =	shalt  }
0x5e: {  	_ =	shalt  }
0x5f: {  	_ =	shalt  }
0x60: {  	_ =	shalt  }
0x61: {  	_ =	shalt  }
0x62: {  	_ =	shalt  }
0x63: {  	_ =	shalt  }
0x64: {  	_ =	shalt  }
0x65: {  	_ =	shalt  }
0x66: {  	_ =	shalt  }
0x67: {  	_ =	shalt  }
0x68: {  	_ =	shalt  }
0x69: {  	_ =	shalt  }
0x6a: {  	_ =	shalt  }
0x6b: {  	_ =	shalt  }
0x6c: {  	_ =	shalt  }
0x6d: {  	_ =	shalt  }
0x6e: {  	_ =	shalt  }
0x6f: {  	_ =	shalt  }
0x70: {  	_ =	shalt  }
0x71: {  	_ =	shalt  }
0x72: {  	_ =	shalt  }
0x73: {  	_ =	shalt  }
0x74: {  	_ =	shalt  }
0x75: {  	_ =	shalt  }
0x76: {  	_ =	shalt  }
0x77: {  	_ =	shalt  }
0x78: {  	_ =	shalt  }
0x79: {  	_ =	shalt  }
0x7a: {  	_ =	shalt  }
0x7b: {  	_ =	shalt  }
0x7c: {  	_ =	shalt  }
0x7d: {  	_ =	shalt  }
0x7e: {  	_ =	shalt  }
0x7f: {  	_ =	shalt  }
0x80: {  	_ =	shalt  }
0x81: {  	_ =	shalt  }
0x82: {  	_ =	shalt  }
0x83: {  	_ =	shalt  }
0x84: {  	_ =	shalt  }
0x85: {  	_ =	shalt  }
0x86: {  	_ =	shalt  }
0x87: {  	_ =	shalt  }
.Lfunc_end0:
.L_simem_size_0:
called_computation.2_lowered:
.L_overlay_start_0:
0x88: {  	s2 =	sld [smem:$0x3FD9]  }
0x89: {  	s3 =	sld [smem:$0x3FFE];
	_ =	sdelay $0x1  }
0x8a: {  	s1 =	srdreg.scid  }
0x8b: {  	s0 =	sand.u32 $0x1, s1  }
0x8c: {  	s16 =	sshll.u32 s0, $0xA;
	s2 =	sadd.s32 s3, s2  }
0x8d: {  	s2 =	sadd.s32 s2, s16  }
0x8e: {  	[smem:$0x3FBF] =	sst s2  }
0x8f: {  	_ = 	snop  }
0x90: {  	(tm) =	ssettm $0x1  }
0x91: {  	s17 =	sld [smem:$0x3FFB];
	_ =	sdelay $0x3  }
0x92: {  	_ =	strace s17  }
0x93: {  	s2 =	sld [smem:$0x3FFC];
	_ =	sdelay $0x3  }
0x94: {  	_ =	strace s2  }
0x95: {  	s2 =	sld [smem:$0x3FFD];
	_ =	sdelay $0x3  }
0x96: {  	_ =	strace s2  }
0x97: {  	_ =	strace $0x8FFFFFFF  }
0x98: {  	s18 =	sld [smem:$0x3FDB];
	_ =	sdelay $0x1  }
0x99: {  	s19 =	simm.s32 $_scs_section_size  }
0x9a: {  	s4 =	simm.s32 $_size__tile_overlayer_lowered;
	s5 =	simm.s32 $_tile_overlayer_lowered  }
0x9b: {  	s22 =	simm.s32 $0x1BFF;
	s21 =	sshll.u32 s5, $0x1;
	s2 =	sadd.s32 s19, s18  }
0x9c: {  	s6 =	simm.s32 $0x0;
	s20 =	sshll.u32 s4, $0x1;
	s4 =	sadd.s32 s21, s2  }
0x9d: {  	[timem:s6], [sflag:s22] =	dma.local [hbm:s4], s20  }
0x9e: {  	_ =	swait.ge [sflag:s22], s20  }
0x9f: {  	s3 =	ssub.s32 $0x0, s20;
	[sflag:s22] =	ssyncset.done $0x0  }
0xa0: {  	[sflag:s22] =	ssyncadd.s32 s3;
	_ =	sdelay $0x1  }
0xa1: {  	s23 =	simm.s32 $0x1B8B  }
0xa2: {  	_ =	swait.ge [sflag:s23], $0x1  }
0xa3: {  	[sflag:s23] =	ssyncset.done $0x0  }
0xa4: {  	s25 =	simm.s32 $0x1B8E;
	s24 =	sld [smem:$0x3FFE];
	[sflag:s23] =	ssyncadd.s32 $0xFFFFFFFF  }
0xa5: {  	s26 =	simm.s32 $execute0_lowered;
	[smem:$0x3FD2] =	sst s25  }
0xa6: {  	s4 =	sshll.u32 s26, $0x1;
	_ =	strace $0x8000004C;
	[dreg:$0x1] =	wrdreg $0xFFFFFFFF  }
0xa7: {  	s28 =	simm.s32 $_size_execute0_lowered;
	s2 =	sadd.s32 s2, s4;
	[dreg:$0x0] =	wrdreg $0x0  }
0xa8: {  	s4 =	sshll.u32 s28, $0x1;
	[dreg:$0x2] =	wrdreg s2  }
0xa9: {  	[dreg:$0x3] =	wrdreg s4  }
0xaa: {  	[dreg:$0x4] =	wrdreg $0xC0  }
0xab: {  	_ =	task [dreg:s6], $0x5FFFF  }
0xac: {  	[dreg:$0x1] =	wrdreg $0xFFFFFFFF  }
0xad: {  	[dreg:$0x0] =	wrdreg $0x60  }
0xae: {  	[dreg:$0x2] =	wrdreg s24  }
0xaf: {  	[dreg:$0x3] =	wrdreg $0xA0000  }
0xb0: {  	[dreg:$0x4] =	wrdreg $0x9  }
0xb1: {  	_ =	task.clear_ibuf [dreg:s6], $0x5FFFF;
	_ =	strace $0x9000004C  }
0xb2: {  	s29 =	simm.s32 $0x9;
	_ =	strace $0x8000004E  }
0xb3: {  	_ =	swait.ge [sflag:s29], $0x1  }
0xb4: {  	[sflag:s29] =	ssyncadd.s32 $0xFFFFFFFF  }
0xb5: {  	_ =	strace $0x9000004E  }
0xb6: {  	_ =	sfence  }
0xb7: {  	s30 =	sld [smem:$0x0];
	_ =	sdelay $0x2  }
0xb8: {  	s31 =	sshll.u32 s1, $0xD;
	s1 =	sshrl.u32 s1, $0x2  }
0xb9: {  	s3 =	sand.u32 $0x4000, s31;
	s1 =	sadd.s32 s1, s30  }
0xba: {  	s0 =	sor.u32 s3, s0;
	s1 =	sshll.u32 s1, $0x11  }
0xbb: {  	s0 =	sor.u32 s1, s0  }
0xbc: {  	s0 =	sadd.s32 $0x8F2B, s0  }
0xbd: {  	[sflag:s0] =	ssyncadd.remote.s32 $0x1  }
0xbe: {  	_ =	sfence.sel $0xFFFF  }
0xbf: {  	[dreg:$0x0] =	wrdreg $0xFFFFFFFF;
	(pc) =	sbr.abs _section_cstart, $3  }
0xc0: {  	[dreg:$0x1] =	wrdreg $0xFFFFFFFF  }
0xc1: {  	_ =	task.clear_ibuf [dreg:s6], $0x2FFFF;
	_ =	strace $0x9FFFFFFF  }
0xc2: {  	(tm) =	ssettm $0x7FFFFFFF  }
0xc3: {  	_ =	shalt  }
tec
execute0_lowered:
.L_overlay_start_1:
0x0: {  	(tag) =	ssettag $0x1  }
0x1: {  	s6 =	rddreg [dreg:$0x0]  }
0x2: {  	s2 =	rddreg [dreg:$0x1]  }
0x3: {  	s1 =	srdreg.scid;
	s0 =	rddreg [dreg:$0x2]  }
0x4: {  	s3 =	simm.s32 $0x0;
	s15 =	simm.s32 $0x6000;
	s8 =	sand.u32 $0x1, s1  }
0x5: {  	s16 =	simm.s32 $0x0;
	s1 =	stileid.u32;
	s5 =	smul.u32 $0x140000, s8  }
0x6: {  	[smem:$0x7FF] =	sst s3;
	s4 =	sshll.u32 s8, $0x4;
	s7 =	smul.u32 $0x14000, s1  }
0x7: {  	_ =	strace $0x8000004D;
	s10 =	smul.u32 $0x50000, s1;
	s30 =	ssub.s32 $0x2, s8  }
0x8: {  	s12 =	sshll.u32 s1, $0x6;
	p0 =	seq.s32 s8, $0x0;
	s8 =	simm.s32 $0x59  }
0x9: {  	s4 =	sor.u32 s1, s4;
	s31 =	sshrl.u32 s30, $0x1;
	s8 =	simm.s32 @!p0 $0x44  }
0xa: {  	s9 =	smul.u32 $0x600, s4;
	s4 =	sadd.s32 $0x2FC00, s6;
	s5 =	sadd.s32 s7, s5  }
0xb: {  	s10 =	sshrl.u32 s10, $0x2;
	s13 =	ssub.s32 s30, s31;
	s7 =	sshrl.u32 s5, $0x3  }
0xc: {  	s5 =	sadd.s32 $0x2400, s6;
	s14 =	sadd.s32 s10, s2;
	s9 =	sadd.s32 s9, s6  }
0xd: {  	s11 =	sadd.s32 s7, s6;
	s6 =	sor.u32 $0x1C01, s12;
	s12 =	sshrl.u32 s14, $0x3  }
0xe: {  	s14 =	simm.s32 $0x80;
	s7 =	sadd.s32 $0x23C00, s9;
	s9 =	sadd.s32 $0x17C00, s9  }
0xf: {  	s10 =	sadd.s32 $0x56E00, s11;
	s11 =	smax.u32 s13, $0x1;
	s13 =	simm.s32 $0x1  }
.LBB2_1:
0x10: {  	[spmem:s12], [sflag:s6] =	dma.local [hbm:s5], $0x2800  }
0x11: {  	_ =	swait.ge [sflag:s13], $0x2800  }
0x12: {  	[sflag:s13] =	ssyncset.done $0x0  }
0x13: {  	[sflag:s13] =	ssyncadd.s32 $0xFFFFD800  }
0x14: {  	[tilespmem:s3], [sflag:$0x1] =	stream.linear.gather [hbm4b:s7+s3], $0x2C80, $0x38;
	[tilespmem:$0x1E000] =	vst v63  }
0x15: {  	_ =	swait.ge [sflag:s13], $0x2C80  }
0x16: {  	[sflag:s13] =	ssyncset.done $0x0  }
0x17: {  	s17 =	simm.s32 $0x3000;
	[sflag:s13] =	ssyncadd.s32 $0xFFFFD380  }
0x18: {  	[tilespmem:s17], [sflag:$0x1] =	stream.linear.gather [hbm4b:s9+s3], $0x2C80, $0x38;
	[tilespmem:$0x1E000] =	vst v63  }
0x19: {  	_ =	swait.ge [sflag:s13], $0x2C80  }
0x1a: {  	[sflag:s13] =	ssyncset.done $0x0  }
0x1b: {  	[sflag:s13] =	ssyncadd.s32 $0xFFFFD380  }
0x1c: {  	[bflag:$0x0] =	sbarrier.arrive $0xFFFF  }
0x1d: {  	[tilespmem:s15], [sflag:$0x1] =	stream.indirect.gather [hbm4b:s4+s14], $0x80, s3, s14, $0xb8;
	[tilespmem:$0x1E000] =	vst v63  }
0x1e: {  	p0 =	sne.s32 s8, $0x1;
	_ =	swait.ge [sflag:s13], $0x4000  }
.Ltmp0:
0x1f: {  	[sflag:s13] =	ssyncset.done $0x0;
	(pc) =	sbr.rel @!p0 .LBB2_3-.Ltmp0, $4  }
0x20: {  	[sflag:s13] =	ssyncadd.s32 $0xFFFFC000  }
0x21: {  	[spmem:s2] =	stream.indirect.scatter.add.f32 [tilespmem:s15], [sflag:$0x1], $0x80, s17, s14, $0xb8;
	[tilespmem:$0x1E000] =	vst v63  }
0x22: {  	_ =	swait.ge [sflag:s13], $0x4000  }
0x23: {  	s18 =	sadd.s32 $0xFFFFFFFF, s8;
	s19 =	simm.s32 $0x0;
	[sflag:s13] =	ssyncset.done $0x0  }
.LBB2_2:
0x24: {  	[sflag:s13] =	ssyncadd.s32 $0xFFFFC000;
	s19 =	sadd.s32 $0x80, s19;
	s17 =	sadd.s32 $0x80, s17  }
0x25: {  	[tilespmem:s15], [sflag:$0x1] =	stream.indirect.gather [hbm4b:s4+s14], $0x80, s19, s14, $0xb8;
	[tilespmem:$0x1E000] =	vst v63  }
0x26: {  	p0 =	sne.s32 s18, $0x1;
	s18 =	sadd.s32 $0xFFFFFFFF, s18;
	_ =	swait.ge [sflag:s13], $0x4000  }
.Ltmp1:
0x27: {  	[sflag:s13] =	ssyncset.done $0x0;
	(pc) =	sbr.rel @p0 .LBB2_2-.Ltmp1, $4  }
0x28: {  	[sflag:s13] =	ssyncadd.s32 $0xFFFFC000  }
0x29: {  	[spmem:s2] =	stream.indirect.scatter.add.f32 [tilespmem:s15], [sflag:$0x1], $0x80, s17, s14, $0xb8;
	[tilespmem:$0x1E000] =	vst v63  }
0x2a: {  	_ =	swait.ge [sflag:s13], $0x4000  }
0x2b: {  	[sflag:s13] =	ssyncset.done $0x0  }
.LBB2_3:
0x2c: {  	s16 =	sadd.s32 $0x1, s16  }
0x2d: {  	[sflag:s13] =	ssyncadd.s32 $0xFFFFC000;
	p0 =	sne.s32 s16, s11  }
.Ltmp2:
0x2e: {  	[bflag:$0x0] =	sbarrier.arrive $0xFFFF;
	(pc) =	sbr.rel @p0 .LBB2_1-.Ltmp2, $4  }
0x2f: {  	[hbm:s10], [sflag:s6] =	dma.local [spmem:s12], $0x2800  }
0x30: {  	_ =	swait.ge [sflag:s13], $0x2800  }
0x31: {  	[sflag:s13] =	ssyncset.done $0x0  }
0x32: {  	[sflag:s13] =	ssyncadd.s32 $0xFFFFD800  }
0x33: {  	_ =	sfence.sel $0x180000  }
0x34: {  	[bflag:$0x0] =	sbarrier.arrive $0xFFFF  }
0x35: {  	p0 =	sne.s32 s1, $0x0;
	_ =	strace $0x9000004D  }
0x36: {  	s0 =	sadd.s32 @!p0 $0x100000, s0;
	[bflag:$0x2] =	sbarrier.arrive $0xFFFF  }
0x37: {  	[sflag:s0] =	ssyncadd.tile.s32 @!p0 $0x1;
	_ =	shalt  }
.Lfunc_end2:
_tile_overlayer_lowered:
.L_overlay_start_2:
0x38: {  	(tag) =	ssettag $0x2  }
0x39: {  	s0 =	rddreg [dreg:$0x0];
	s2 =	stileid.u32  }
0x3a: {  	s1 =	rddreg [dreg:$0x1];
	p0 =	sne.s32 s2, $0x0  }
0x3b: {  	s3 =	rddreg [dreg:$0x2];
	[bflag:$0x3] =	sbarrier.arrive $0xFFFF;
	s2 =	simm.s32 @!p0 $0x1C01  }
0x3c: {  	[timem:s3], [sflag:s2] =	dma.local @!p0 [hbm:s0], s1  }
0x3d: {  	s0 =	simm.s32 @!p0 $0x1  }
0x3e: {  	_ =	swait.ge @!p0 [sflag:s0], s1  }
0x3f: {  	s1 =	ssub.s32 @!p0 $0x0, s1;
	[sflag:s0] =	ssyncset.done @!p0 $0x0  }
0x40: {  	[sflag:s0] =	ssyncadd.s32 @!p0 s1  }
0x41: {  	[bflag:$0x3] =	sbarrier.arrive $0xFFFF  }
0x42: {  	_ =	shalt  }

// kernel: kernel.8.cloned.1.call-start
scs
__scs_entry_jumppad:
0x0: {  	(pc) =	sbr.rel $0x88, $3  }
0x1: {  	(tag) =	ssettag $0x0;
	lr =	simm.s32 $0x1  }
0x2: {  	[smem:$0x3F98] =	sst lr;
	_ =	strace $0xD0000000  }
0x3: {  	_ = 	snop  }
0x4: {  	_ = 	snop  }
0x5: {  	_ = 	snop  }
0x6: {  	_ = 	snop  }
0x7: {  	_ = 	snop  }
__scs_overlays_trampoline_lowered:
0x8: {  	[smem:$0x3FA7] =	sst s0  }
0x9: {  	[smem:$0x3FA8] =	sst s1  }
0xa: {  	[smem:$0x3FA9] =	sst s2  }
0xb: {  	[smem:$0x3FAA] =	sst s3  }
0xc: {  	[smem:$0x3FAB] =	sst s4  }
0xd: {  	[smem:$0x3FAC] =	sst s5  }
0xe: {  	[smem:$0x3FAD] =	sst s6  }
0xf: {  	[smem:$0x3FAE] =	sst s7  }
0x10: {  	[smem:$0x3FAF] =	sst s8  }
0x11: {  	[smem:$0x3FB0] =	sst s9;
	s0 =	simm.s32 @!p0 $0x0  }
0x12: {  	s1 =	sld [smem:$0x3F96];
	s0 =	simm.s32 @p0 $0x1  }
0x13: {  	[smem:$0x3FB1] =	sst s0;
	s0 =	simm.s32 @!p1 $0x0  }
0x14: {  	s2 =	sld [smem:$0x3F95];
	s0 =	simm.s32 @p1 $0x1  }
0x15: {  	[smem:$0x3FB2] =	sst s0;
	s0 =	simm.s32 @!p2 $0x0  }
0x16: {  	s3 =	sld [smem:$0x3FDB];
	s0 =	simm.s32 @p2 $0x1  }
0x17: {  	s4 =	simm.s32 $0x1BF5;
	[smem:$0x3FB4] =	sst s0  }
0x18: {  	s0 =	sld [smem:$0x3F97];
	_ =	swait.ge [sflag:s4], $0x0  }
0x19: {  	s7 =	sld [smem:$0x3F98]  }
0x1a: {  	s8 =	sadd.s32 $0xFFFFE003, lr  }
0x1b: {  	s9 =	sadd.s32 $0xFFFFFEF7, lr;
	s5 =	simm.s32 $0xFFFFFFFF;
	p2 =	slt.u32 s8, $0xFFFFF086  }
0x1c: {  	p1 =	slt.u32 s9, $0xF7A;
	s5 =	simm.s32 @!p2 $0x0  }
0x1d: {  	s5 =	simm.s32 @p1 $0x1;
	p0 =	seq.s32 s7, s2  }
0x1e: {  	s7 =	smul.u32 @!p0 $0xF7A, s2;
	p2 =	seq.s32 @!p0 s5, $0x0  }
0x1f: {  	s9 =	smul.u32 $0xF7A, s1;
	s8 =	simm.s32 @!p0 $0x1BF5;
	p2 =	por !p2, p0  }
0x20: {  	[sflag:s8] =	ssyncset.s32 @!p0 $0xFFFFF086;
	s6 =	sadd.s32 @!p0 s3, s7;
	s7 =	simm.s32 @!p0 $0x108  }
0x21: {  	s3 =	sadd.s32 s3, s9;
	s6 =	sadd.s32 @!p0 $0x88, s6;
	s7 =	simm.s32 @p2 $0x1082  }
0x22: {  	[simem:s7], [sflag:s8] =	dma.local @!p0 [hbm:s6], $0xF7A  }
0x23: {  	s9 =	sor.u32 $0xD0000000, s2;
	s6 =	simm.s32 $0x108;
	_ =	swait.ge @!p0 [sflag:s8], $0x0  }
0x24: {  	s3 =	sadd.s32 $0x88, s3;
	s6 =	simm.s32 @!p1 $0x1082;
	[sflag:s4] =	ssyncset.s32 $0xFFFFF086  }
0x25: {  	[simem:s6], [sflag:s4] =	dma.local [hbm:s3], $0xF7A  }
0x26: {  	[smem:$0x3F98] =	sst s1;
	(tag) =	ssettag s2;
	_ =	strace s9  }
0x27: {  	s1 =	sld [smem:$0x3FA8]  }
0x28: {  	s2 =	sld [smem:$0x3FA9]  }
0x29: {  	s4 =	sld [smem:$0x3FAB]  }
0x2a: {  	p0 =	seq.s32 s5, $0x0;
	s5 =	sld [smem:$0x3FAC]  }
0x2b: {  	s6 =	sld [smem:$0x3FAD]  }
0x2c: {  	s7 =	sld [smem:$0x3FAE]  }
0x2d: {  	s3 =	simm.s32 $0x108;
	s8 =	sld [smem:$0x3FAF]  }
0x2e: {  	s3 =	simm.s32 @!p0 $0x1082;
	s9 =	sld [smem:$0x3FB0]  }
0x2f: {  	lr =	sadd.s32 s0, s3;
	s0 =	sld [smem:$0x3FA7]  }
0x30: {  	s3 =	sld [smem:$0x3FAA]  }
0x31: {  	[smem:$0x3FB3] =	sst s10  }
0x32: {  	s10 =	sld [smem:$0x3FB1];
	_ =	sdelay $0x3  }
0x33: {  	p0 =	seq.s32 s10, $0x1;
	s10 =	sld [smem:$0x3FB3];
	_ =	sdelay $0x3  }
0x34: {  	[smem:$0x3FB3] =	sst s10  }
0x35: {  	s10 =	sld [smem:$0x3FB2];
	_ =	sdelay $0x3  }
0x36: {  	p1 =	seq.s32 s10, $0x1;
	s10 =	sld [smem:$0x3FB3];
	_ =	sdelay $0x3  }
0x37: {  	[smem:$0x3FB3] =	sst s10  }
0x38: {  	s10 =	sld [smem:$0x3FB4]  }
0x39: {  	_ = 	snop;
	(pc) =	sbr.ind lr, $3  }
0x3a: {  	_ = 	snop  }
0x3b: {  	_ = 	snop  }
0x3c: {  	p2 =	seq.s32 s10, $0x1;
	s10 =	sld [smem:$0x3FB3]  }
0x3d: {  	_ =	shalt  }
0x3e: {  	_ =	shalt  }
0x3f: {  	_ =	shalt  }
0x40: {  	_ =	shalt  }
0x41: {  	_ =	shalt  }
0x42: {  	_ =	shalt  }
0x43: {  	_ =	shalt  }
0x44: {  	_ =	shalt  }
0x45: {  	_ =	shalt  }
0x46: {  	_ =	shalt  }
0x47: {  	_ =	shalt  }
0x48: {  	_ =	shalt  }
0x49: {  	_ =	shalt  }
0x4a: {  	_ =	shalt  }
0x4b: {  	_ =	shalt  }
0x4c: {  	_ =	shalt  }
0x4d: {  	_ =	shalt  }
0x4e: {  	_ =	shalt  }
0x4f: {  	_ =	shalt  }
0x50: {  	_ =	shalt  }
0x51: {  	_ =	shalt  }
0x52: {  	_ =	shalt  }
0x53: {  	_ =	shalt  }
0x54: {  	_ =	shalt  }
0x55: {  	_ =	shalt  }
0x56: {  	_ =	shalt  }
0x57: {  	_ =	shalt  }
0x58: {  	_ =	shalt  }
0x59: {  	_ =	shalt  }
0x5a: {  	_ =	shalt  }
0x5b: {  	_ =	shalt  }
0x5c: {  	_ =	shalt  }
0x5d: {  	_ =	shalt  }
0x5e: {  	_ =	shalt  }
0x5f: {  	_ =	shalt  }
0x60: {  	_ =	shalt  }
0x61: {  	_ =	shalt  }
0x62: {  	_ =	shalt  }
0x63: {  	_ =	shalt  }
0x64: {  	_ =	shalt  }
0x65: {  	_ =	shalt  }
0x66: {  	_ =	shalt  }
0x67: {  	_ =	shalt  }
0x68: {  	_ =	shalt  }
0x69: {  	_ =	shalt  }
0x6a: {  	_ =	shalt  }
0x6b: {  	_ =	shalt  }
0x6c: {  	_ =	shalt  }
0x6d: {  	_ =	shalt  }
0x6e: {  	_ =	shalt  }
0x6f: {  	_ =	shalt  }
0x70: {  	_ =	shalt  }
0x71: {  	_ =	shalt  }
0x72: {  	_ =	shalt  }
0x73: {  	_ =	shalt  }
0x74: {  	_ =	shalt  }
0x75: {  	_ =	shalt  }
0x76: {  	_ =	shalt  }
0x77: {  	_ =	shalt  }
0x78: {  	_ =	shalt  }
0x79: {  	_ =	shalt  }
0x7a: {  	_ =	shalt  }
0x7b: {  	_ =	shalt  }
0x7c: {  	_ =	shalt  }
0x7d: {  	_ =	shalt  }
0x7e: {  	_ =	shalt  }
0x7f: {  	_ =	shalt  }
0x80: {  	_ =	shalt  }
0x81: {  	_ =	shalt  }
0x82: {  	_ =	shalt  }
0x83: {  	_ =	shalt  }
0x84: {  	_ =	shalt  }
0x85: {  	_ =	shalt  }
0x86: {  	_ =	shalt  }
0x87: {  	_ =	shalt  }
.Lfunc_end0:
.L_simem_size_0:
called_computation_lowered:
.L_overlay_start_0:
0x88: {  	s2 =	sld [smem:$0x3FD9]  }
0x89: {  	s3 =	sld [smem:$0x3FFE];
	_ =	sdelay $0x1  }
0x8a: {  	s1 =	srdreg.scid  }
0x8b: {  	s0 =	sand.u32 $0x1, s1  }
0x8c: {  	s16 =	sshll.u32 s0, $0xA;
	s2 =	sadd.s32 s3, s2  }
0x8d: {  	s2 =	sadd.s32 s2, s16  }
0x8e: {  	[smem:$0x3FBF] =	sst s2  }
0x8f: {  	_ = 	snop  }
0x90: {  	(tm) =	ssettm $0x1  }
0x91: {  	s17 =	sld [smem:$0x3FFB];
	_ =	sdelay $0x3  }
0x92: {  	_ =	strace s17  }
0x93: {  	s2 =	sld [smem:$0x3FFC];
	_ =	sdelay $0x3  }
0x94: {  	_ =	strace s2  }
0x95: {  	s2 =	sld [smem:$0x3FFD];
	_ =	sdelay $0x3  }
0x96: {  	_ =	strace s2  }
0x97: {  	_ =	strace $0x8FFFFFFF  }
0x98: {  	s18 =	sld [smem:$0x3FDB];
	_ =	sdelay $0x1  }
0x99: {  	s19 =	simm.s32 $_scs_section_size  }
0x9a: {  	s4 =	simm.s32 $_size__tile_overlayer_lowered;
	s5 =	simm.s32 $_tile_overlayer_lowered  }
0x9b: {  	s22 =	simm.s32 $0x1BFF;
	s21 =	sshll.u32 s5, $0x1;
	s2 =	sadd.s32 s19, s18  }
0x9c: {  	s6 =	simm.s32 $0x0;
	s20 =	sshll.u32 s4, $0x1;
	s4 =	sadd.s32 s21, s2  }
0x9d: {  	[timem:s6], [sflag:s22] =	dma.local [hbm:s4], s20  }
0x9e: {  	_ =	swait.ge [sflag:s22], s20  }
0x9f: {  	s3 =	ssub.s32 $0x0, s20;
	[sflag:s22] =	ssyncset.done $0x0  }
0xa0: {  	[sflag:s22] =	ssyncadd.s32 s3;
	_ =	sdelay $0x1  }
0xa1: {  	s23 =	simm.s32 $0x1B8B  }
0xa2: {  	_ =	swait.ge [sflag:s23], $0x1  }
0xa3: {  	[sflag:s23] =	ssyncset.done $0x0  }
0xa4: {  	s25 =	simm.s32 $0x1B8E;
	s24 =	sld [smem:$0x3FFE];
	[sflag:s23] =	ssyncadd.s32 $0xFFFFFFFF  }
0xa5: {  	s26 =	simm.s32 $execute0_lowered;
	[smem:$0x3FD2] =	sst s25  }
0xa6: {  	s4 =	sshll.u32 s26, $0x1;
	_ =	strace $0x80000046;
	[dreg:$0x1] =	wrdreg $0xFFFFFFFF  }
0xa7: {  	s28 =	simm.s32 $_size_execute0_lowered;
	s2 =	sadd.s32 s2, s4;
	[dreg:$0x0] =	wrdreg $0x0  }
0xa8: {  	s4 =	sshll.u32 s28, $0x1;
	[dreg:$0x2] =	wrdreg s2  }
0xa9: {  	[dreg:$0x3] =	wrdreg s4  }
0xaa: {  	[dreg:$0x4] =	wrdreg $0xC0  }
0xab: {  	_ =	task [dreg:s6], $0x5FFFF  }
0xac: {  	[dreg:$0x1] =	wrdreg $0xFFFFFFFF  }
0xad: {  	[dreg:$0x0] =	wrdreg $0x60  }
0xae: {  	[dreg:$0x2] =	wrdreg s24  }
0xaf: {  	[dreg:$0x3] =	wrdreg $0x9  }
0xb0: {  	_ =	task.clear_ibuf [dreg:s6], $0x4FFFF;
	_ =	strace $0x90000046  }
0xb1: {  	s29 =	simm.s32 $0x9;
	_ =	strace $0x80000048  }
0xb2: {  	_ =	swait.ge [sflag:s29], $0x1  }
0xb3: {  	[sflag:s29] =	ssyncadd.s32 $0xFFFFFFFF  }
0xb4: {  	_ =	strace $0x90000048  }
0xb5: {  	_ =	sfence  }
0xb6: {  	s30 =	sld [smem:$0x0];
	_ =	sdelay $0x2  }
0xb7: {  	s31 =	sshll.u32 s1, $0xD;
	s1 =	sshrl.u32 s1, $0x2  }
0xb8: {  	s3 =	sand.u32 $0x4000, s31;
	s1 =	sadd.s32 s1, s30  }
0xb9: {  	s0 =	sor.u32 s3, s0;
	s1 =	sshll.u32 s1, $0x11  }
0xba: {  	s0 =	sor.u32 s1, s0  }
0xbb: {  	s0 =	sadd.s32 $0x8F2B, s0  }
0xbc: {  	[sflag:s0] =	ssyncadd.remote.s32 $0x1  }
0xbd: {  	_ =	sfence.sel $0xFFFF  }
0xbe: {  	[dreg:$0x0] =	wrdreg $0xFFFFFFFF;
	(pc) =	sbr.abs _section_cstart, $3  }
0xbf: {  	[dreg:$0x1] =	wrdreg $0xFFFFFFFF  }
0xc0: {  	_ =	task.clear_ibuf [dreg:s6], $0x2FFFF;
	_ =	strace $0x9FFFFFFF  }
0xc1: {  	(tm) =	ssettm $0x7FFFFFFF  }
tec
execute0_lowered:
.L_overlay_start_1:
0x0: {  	(tag) =	ssettag $0x1  }
0x1: {  	s0 =	srdreg.scid  }
0x2: {  	s4 =	rddreg [dreg:$0x0];
	s3 =	sand.u32 $0x1, s0  }
0x3: {  	s2 =	simm.s32 $0x0;
	s0 =	stileid.u32;
	s1 =	sshll.u32 s3, $0x4  }
0x4: {  	s8 =	simm.s32 $0x1;
	s9 =	simm.s32 $0x80;
	s1 =	sor.u32 s0, s1  }
0x5: {  	s10 =	simm.s32 $0x400;
	s11 =	simm.s32 $0x0;
	s5 =	sshrl.u32 s1, $0x3  }
0x6: {  	[smem:$0x7FF] =	sst s2;
	s6 =	sshll.u32 s0, $0x7;
	s7 =	smul.u32 $0x16400, s5  }
0x7: {  	s30 =	ssub.s32 $0x2, s3;
	s6 =	sand.u32 $0x380, s6;
	s5 =	smul.u32 $0x14000, s5  }
0x8: {  	s3 =	sadd.s32 $0xD600, s4;
	s31 =	sshrl.u32 s30, $0x1;
	s7 =	sor.u32 s6, s7  }
0x9: {  	s1 =	rddreg [dreg:$0x1];
	s5 =	sor.u32 s6, s5;
	s7 =	sshrl.u32 s7, $0x3  }
0xa: {  	_ =	strace $0x80000047;
	s5 =	sshrl.u32 s5, $0x3;
	s29 =	sadd.s32 s7, s4  }
0xb: {  	s5 =	sadd.s32 s5, s4;
	s7 =	ssub.s32 s30, s31;
	s4 =	sadd.s32 $0x2400, s29  }
0xc: {  	v0 =	vimm.f32 $1.000000000e+00;
	s5 =	sadd.s32 $0xDC00, s5;
	s6 =	smax.u32 s7, $0x1;
	s7 =	simm.s32 $0x2C80  }
.LBB2_1:
0xd: {  	[tilespmem:s7], [sflag:$0x1] =	stream.linear.gather [hbm4b:s3+s2], $0x2800, $0x38;
	[tilespmem:$0x5480] =	vst v63  }
0xe: {  	_ =	swait.ge [sflag:s8], $0x2800  }
0xf: {  	[sflag:s8] =	ssyncset.done $0x0  }
0x10: {  	[sflag:s8] =	ssyncadd.s32 $0xFFFFD800  }
0x11: {  	[tilespmem:s2], [sflag:$0x1] =	stream.strided.gather [hbm4b:s4+s9], $0x2C80, s10, s9, $0x38;
	[tilespmem:$0x5480] =	vst v63  }
0x12: {  	_ =	swait.ge [sflag:s8], $0x2C80  }
0x13: {  	[sflag:s8] =	ssyncset.done $0x0  }
0x14: {  	s13 =	simm.s32 $0x0;
	s12 =	simm.s32 $0x40;
	[sflag:s8] =	ssyncadd.s32 $0xFFFFD380  }
.LBB2_2:
0x15: {  	p0 =	sne.s32 s12, $0xB1C0;
	v1 =	vld [tilespmem:s13+$0x0];
	_ =	sdelay $0x3  }
.Ltmp0:
0x16: {  	(pc) =	sbr.rel @p0 .LBB2_2-.Ltmp0, $2  }
0x17: {  	_ =	sdelay $0x2  }
0x18: {  	s13 =	sshra.s32 s12, $0x2;
	s12 =	sadd.s32 $0x40, s12;
	[tilespmem:v1+s7+$0x0] =	vst.idx.add.f32.msk $0xffff, v0  }
0x19: {  	v1 =	vld [tilespmem:s13+$0x0];
	_ =	sdelay $0x5  }
0x1a: {  	s11 =	sadd.s32 $0x1, s11  }
0x1b: {  	p0 =	sne.s32 s11, s6  }
.Ltmp1:
0x1c: {  	[tilespmem:v1+s7+$0x0] =	vst.idx.add.f32.msk $0xffff, v0;
	(pc) =	sbr.rel @p0 .LBB2_1-.Ltmp1, $4  }
0x1d: {  	[hbm4b:s5+s9] =	stream.strided.scatter [tilespmem:s7], [sflag:$0x1], $0x2800, s10, s9, $0x38;
	[tilespmem:$0x5480] =	vst v63  }
0x1e: {  	_ =	swait.ge [sflag:s8], $0x2800  }
0x1f: {  	[sflag:s8] =	ssyncset.done $0x0  }
0x20: {  	[sflag:s8] =	ssyncadd.s32 $0xFFFFD800  }
0x21: {  	_ =	sfence.sel $0x180000  }
0x22: {  	[bflag:$0x0] =	sbarrier.arrive $0xFFFF  }
0x23: {  	p0 =	sne.s32 s0, $0x0;
	_ =	strace $0x90000047  }
0x24: {  	s0 =	sadd.s32 @!p0 $0x100000, s1;
	[bflag:$0x2] =	sbarrier.arrive $0xFFFF  }
0x25: {  	[sflag:s0] =	ssyncadd.tile.s32 @!p0 $0x1;
	_ =	shalt  }
.Lfunc_end2:
_tile_overlayer_lowered:
.L_overlay_start_2:
0x26: {  	(tag) =	ssettag $0x2  }
0x27: {  	s0 =	rddreg [dreg:$0x0];
	s2 =	stileid.u32  }
0x28: {  	s1 =	rddreg [dreg:$0x1];
	p0 =	sne.s32 s2, $0x0  }
0x29: {  	s3 =	rddreg [dreg:$0x2];
	[bflag:$0x3] =	sbarrier.arrive $0xFFFF;
	s2 =	simm.s32 @!p0 $0x1C01  }
0x2a: {  	[timem:s3], [sflag:s2] =	dma.local @!p0 [hbm:s0], s1  }
0x2b: {  	s0 =	simm.s32 @!p0 $0x1  }
0x2c: {  	_ =	swait.ge @!p0 [sflag:s0], s1  }
0x2d: {  	s1 =	ssub.s32 @!p0 $0x0, s1;
	[sflag:s0] =	ssyncset.done @!p0 $0x0  }
0x2e: {  	[sflag:s0] =	ssyncadd.s32 @!p0 s1  }
0x2f: {  	[bflag:$0x3] =	sbarrier.arrive $0xFFFF  }
0x30: {  	_ =	shalt  }

</sc_bundles>
